<compile_context>
chip_gen: v7x
topology: tpu7x:2x2x1
jax: 0.10.2.dev20260603
libtpu: 0.0.44.dev20260713+nightly
codegen_flags: <defaults>
</compile_context>

<pallas_src>
import functools

import jax
import jax.numpy as jnp
from jax import lax
from jax.experimental import pallas as pl
from jax.experimental.pallas import tpu as pltpu
from jax.experimental.pallas import tpu_sc as plsc

_B, _NC, _NF, _CSKIP, _H, _K, _G = 4, 2048, 8192, 128, 128, 3, 8
_T = 1024
_NT = _NF // _T
_TM = 1024
_NTM = _NF // _TM
_GN_N = (_H // _G) * _NF
_KEEP = ~2047
_NW = 32
_PW = _B * _NF // _NW
_CPB = _NF // _PW


def _dot(a, b):
    return jax.lax.dot_general(a, b, (((1,), (0,)), ((), ())),
                               preferred_element_type=jnp.float32)


def _dotb(a, b):
    return _dot(a.astype(jnp.bfloat16), b.astype(jnp.bfloat16))


def _silu(x):
    return x / (1.0 + jnp.exp(-x))


def _knn_body(pct_ref, pcb_ref, pfb_ref, pf_ref, idx_ref, wn_ref, pc7_ref,
              key4_ref):
    t = pl.program_id(1)
    f32, bf16 = jnp.float32, jnp.bfloat16

    @pl.when(t == 0)
    def _():
        pc = pct_ref[0]
        pp = (pc[:, 0:1] * pc[:, 0:1] + pc[:, 1:2] * pc[:, 1:2]
              + pc[:, 2:3] * pc[:, 2:3])
        pph = pp.astype(bf16).astype(f32)
        ppl = pp - pph
        one = jnp.ones_like(pp)
        pc7_ref[...] = jnp.concatenate(
            [-2.0 * pcb_ref[0].astype(f32), pph, ppl, one, one], axis=1)

    pf = pf_ref[0]
    qq = pf[0:1] * pf[0:1] + pf[1:2] * pf[1:2] + pf[2:3] * pf[2:3]
    qqh = qq.astype(bf16).astype(f32)
    qql = qq - qqh
    one = jnp.ones_like(qq)
    pf7 = jnp.concatenate(
        [pfb_ref[0].astype(f32), one, one, qqh, qql], axis=0)
    d2 = _dotb(pc7_ref[...], pf7)

    ibits = jax.lax.broadcasted_iota(jnp.int32, (_NC, _T), 0)
    key = jax.lax.bitcast_convert_type(
        (jax.lax.bitcast_convert_type(d2, jnp.int32) & _KEEP) | ibits,
        jnp.float32)
    inf = jnp.inf
    key4_ref[...] = key.reshape(4, _NC // 32, 8, _T)
    inf8 = jnp.full((8, _T), inf, jnp.float32)
    init = tuple((inf8, inf8, inf8) for _ in range(4))

    def _scan_body(j, carry):
        outs = []
        for s in range(4):
            m1c, m2c, m3c = carry[s]
            x = key4_ref[s, j]
            outs.append((jnp.minimum(m1c, x),
                         jnp.minimum(m2c, jnp.maximum(m1c, x)),
                         jnp.minimum(m3c, jnp.maximum(m2c, x))))
        return tuple(outs)

    carry = jax.lax.fori_loop(0, _NC // 32, _scan_body, init, unroll=2)
    cat = jnp.concatenate([m for trio in carry for m in trio], axis=0)
    m1 = jnp.min(cat, axis=0, keepdims=True)
    m2 = jnp.min(jnp.where(cat > m1, cat, inf), axis=0, keepdims=True)
    m3 = jnp.min(jnp.where(cat > m2, cat, inf), axis=0, keepdims=True)
    w1 = 1.0 / jnp.maximum(m1, 1e-12)
    w2 = 1.0 / jnp.maximum(m2, 1e-12)
    w3 = 1.0 / jnp.maximum(m3, 1e-12)
    rs = 1.0 / (w1 + w2 + w3)
    idx_ref[0] = jnp.concatenate(
        [jax.lax.bitcast_convert_type(m, jnp.int32) & 2047
         for m in (m1, m2, m3)], axis=0)
    wn_ref[0] = jnp.concatenate([w1 * rs, w2 * rs, w3 * rs], axis=0)


def _sc_gather_body(idx_hbm, wn_hbm, dp_hbm, out_hbm, idx_v, w_v, tab_v,
                    out_v):
    wid = lax.axis_index("s") * 2 + lax.axis_index("c")
    b = wid // _CPB
    c = wid % _CPB
    sl_hbm = pl.ds(c * _PW, _PW)
    pltpu.sync_copy(dp_hbm.at[b], tab_v)
    pltpu.sync_copy(idx_hbm.at[b, :, sl_hbm], idx_v)
    pltpu.sync_copy(wn_hbm.at[b, :, sl_hbm], w_v)
    def body(j, carry):
        sl = pl.ds(j * 16, 16)
        for d in range(3):
            acc = jnp.zeros((16,), jnp.float32)
            for k in range(3):
                g = plsc.load_gather(tab_v, [idx_v[k, sl] + d * _NC])
                acc = acc + w_v[k, sl] * g
            out_v[d, sl] = acc
        return carry

    lax.fori_loop(0, _PW // 16, body, 0)
    pltpu.sync_copy(out_v, out_hbm.at[b, :, sl_hbm])


def _gn_affine(s, q, g_ref, b_ref):
    r = jax.lax.broadcasted_iota(jnp.int32, (_H, _H), 0) // (_H // _G)
    c = jax.lax.broadcasted_iota(jnp.int32, (_H, _H), 1) // (_H // _G)
    A = (r == c).astype(jnp.float32)
    mean = _dot(A, s) * (1.0 / _GN_N)
    var = _dot(A, q) * (1.0 / _GN_N) - mean * mean
    inv = jax.lax.rsqrt(var + 1e-5)
    a = g_ref[...] * inv
    return a, b_ref[...] - mean * a


def _mlp_body(dp3_ref, fs_ref, w1a_ref, w1b_ref, g1_ref, b1_ref, w2_ref,
              g2_ref, b2_ref, w3_ref, b3_ref, out_ref,
              h1s_ref, h2s_ref, s1_ref, q1_ref, s2_ref, q2_ref):
    p = pl.program_id(1)
    t = pl.program_id(2)
    sl = pl.ds(t * _TM, _TM)

    @pl.when((p == 0) & (t == 0))
    def _():
        s1_ref[...] = jnp.zeros_like(s1_ref)
        q1_ref[...] = jnp.zeros_like(q1_ref)
        s2_ref[...] = jnp.zeros_like(s2_ref)
        q2_ref[...] = jnp.zeros_like(q2_ref)

    @pl.when(p == 0)
    def _():
        h1 = _dotb(w1a_ref[...], dp3_ref[0]) + _dot(w1b_ref[...], fs_ref[0])
        h1s_ref[:, sl] = h1.astype(jnp.bfloat16)
        s1_ref[...] += jnp.sum(h1, axis=1, keepdims=True)
        q1_ref[...] += jnp.sum(h1 * h1, axis=1, keepdims=True)

    @pl.when(p == 1)
    def _():
        a, c = _gn_affine(s1_ref[...], q1_ref[...], g1_ref, b1_ref)
        act = _silu(h1s_ref[:, sl].astype(jnp.float32) * a + c)
        h2 = _dotb(w2_ref[...], act)
        h2s_ref[:, sl] = h2
        s2_ref[...] += jnp.sum(h2, axis=1, keepdims=True)
        q2_ref[...] += jnp.sum(h2 * h2, axis=1, keepdims=True)

    @pl.when(p == 2)
    def _():
        a, c = _gn_affine(s2_ref[...], q2_ref[...], g2_ref, b2_ref)
        act = _silu(h2s_ref[:, sl] * a + c)
        out_ref[0] = dp3_ref[0] + _dotb(w3_ref[...], act) + b3_ref[...]


def kernel(P_coarse_b3n, P_fine_b3n, dP_coarse_b3n, F_skip_bcn, W1, g1, b1,
           W2, g2, b2, W3, b3):
    f32 = jnp.float32
    bf16 = jnp.bfloat16
    i32 = jnp.int32
    pct = jnp.transpose(P_coarse_b3n, (0, 2, 1))
    pcb = pct.astype(bf16)
    pfb = P_fine_b3n.astype(bf16)
    fsb = F_skip_bcn.astype(bf16)
    w1a = W1[:, :3]
    w1b = W1[:, 3:].astype(bf16)
    g1c, b1c = g1.reshape(_H, 1), b1.reshape(_H, 1)
    g2c, b2c = g2.reshape(_H, 1), b2.reshape(_H, 1)
    b3c = b3.reshape(3, 1)

    arb = pltpu.CompilerParams(
        dimension_semantics=("arbitrary", "arbitrary"))

    full = lambda shape: pl.BlockSpec(shape, lambda bi, ti: (0,) * len(shape))
    perb = lambda shape: pl.BlockSpec(shape, lambda bi, ti: (bi,) + (0,) * (len(shape) - 1))
    tile = lambda shape: pl.BlockSpec(shape, lambda bi, ti: (bi, 0, ti))

    idx, wn = pl.pallas_call(
        _knn_body,
        grid=(_B, _NT),
        in_specs=[perb((1, _NC, 3)), perb((1, _NC, 3)), tile((1, 3, _T)),
                  tile((1, 3, _T))],
        out_specs=[tile((1, 3, _T)), tile((1, 3, _T))],
        out_shape=[jax.ShapeDtypeStruct((_B, 3, _NF), i32),
                   jax.ShapeDtypeStruct((_B, 3, _NF), f32)],
        scratch_shapes=[pltpu.VMEM((_NC, 7), f32),
                        pltpu.VMEM((4, _NC // 32, 8, _T), f32)],
        compiler_params=arb,
    )(pct, pcb, pfb, P_fine_b3n)

    mesh = plsc.VectorSubcoreMesh(core_axis_name="c", subcore_axis_name="s")
    dp3 = functools.partial(
        pl.kernel,
        out_type=jax.ShapeDtypeStruct((_B, 3, _NF), f32),
        mesh=mesh,
        compiler_params=pltpu.CompilerParams(needs_layout_passes=False),
        scratch_types=[pltpu.VMEM((3, _PW), i32), pltpu.VMEM((3, _PW), f32),
                       pltpu.VMEM((3 * _NC,), f32), pltpu.VMEM((3, _PW), f32)],
    )(_sc_gather_body)(idx, wn, dP_coarse_b3n.reshape(_B, 3 * _NC))

    tile3 = lambda shape: pl.BlockSpec(
        shape, lambda bi, pi, ti: (bi, 0, jnp.where(pi == 1, 0, ti)))
    tile0 = lambda shape: pl.BlockSpec(
        shape, lambda bi, pi, ti: (bi, 0, jnp.where(pi == 0, ti, 0)))
    tile2 = lambda shape: pl.BlockSpec(
        shape, lambda bi, pi, ti: (bi, 0, jnp.where(pi == 2, ti, 0)))
    full3 = lambda shape: pl.BlockSpec(
        shape, lambda bi, pi, ti: (0,) * len(shape))

    out = pl.pallas_call(
        _mlp_body,
        grid=(_B, 3, _NTM),
        in_specs=[tile3((1, 3, _TM)), tile0((1, _CSKIP, _TM)),
                  full3((_H, 3)), full3((_H, _CSKIP)),
                  full3((_H, 1)), full3((_H, 1)), full3((_H, _H)),
                  full3((_H, 1)), full3((_H, 1)), full3((3, _H)),
                  full3((3, 1))],
        out_specs=tile2((1, 3, _TM)),
        out_shape=jax.ShapeDtypeStruct((_B, 3, _NF), f32),
        scratch_shapes=[pltpu.VMEM((_H, _NF), bf16), pltpu.VMEM((_H, _NF), f32),
                        pltpu.VMEM((_H, 1), f32), pltpu.VMEM((_H, 1), f32),
                        pltpu.VMEM((_H, 1), f32), pltpu.VMEM((_H, 1), f32)],
        compiler_params=pltpu.CompilerParams(
            dimension_semantics=("arbitrary", "arbitrary", "arbitrary")),
    )(dp3, fsb, w1a, w1b, g1c, b1c, W2, g2c, b2c, W3, b3c)

    return out

# --- scband reference (transcript-rebuilt; emitter-appended) ---
"""Pipeline reference for scband-pn2-fp-offsets-58162447123327 (READ-ONLY COPY).

The authoritative reference and input builder live on the scoring server;
editing this copy changes nothing except your own understanding.
"""

import jax, jax.numpy as jnp
import numpy as np

B, NC, NF, C_SKIP, HIDDEN, K, P_POW, GROUPS = 4, 2048, 8192, 128, 128, 3, 2, 8


def setup_inputs(seed: int = 0) -> dict:
    key = jax.random.key(seed)
    ks = jax.random.split(key, 10)
    return {
        "P_coarse_b3n": jax.random.normal(ks[0], (B, 3, NC), jnp.float32),
        "P_fine_b3n": jax.random.normal(ks[1], (B, 3, NF), jnp.float32),
        "dP_coarse_b3n": jax.random.normal(ks[2], (B, 3, NC), jnp.float32) * 0.1,
        "F_skip_bcn": jax.random.normal(ks[3], (B, C_SKIP, NF), jnp.float32),
        "W1": jax.random.normal(ks[4], (HIDDEN, 3 + C_SKIP), jnp.float32) / np.sqrt(3 + C_SKIP),
        "g1": jnp.ones((HIDDEN,), jnp.float32),
        "b1": jnp.zeros((HIDDEN,), jnp.float32),
        "W2": jax.random.normal(ks[5], (HIDDEN, HIDDEN), jnp.float32) / np.sqrt(HIDDEN),
        "g2": jnp.ones((HIDDEN,), jnp.float32),
        "b2": jnp.zeros((HIDDEN,), jnp.float32),
        "W3": jax.random.normal(ks[6], (3, HIDDEN), jnp.float32) / np.sqrt(HIDDEN),
        "b3": jnp.zeros((3,), jnp.float32),
    }


def _group_norm(x, gamma, beta, groups=GROUPS, eps=1e-5):
    b, c, n = x.shape
    xg = x.reshape(b, groups, c // groups, n)
    mean = jnp.mean(xg, axis=(2, 3), keepdims=True)
    var = jnp.var(xg, axis=(2, 3), keepdims=True)
    xg = (xg - mean) / jnp.sqrt(var + eps)
    x = xg.reshape(b, c, n)
    return x * gamma[None, :, None] + beta[None, :, None]


def _silu(x):
    return x * jax.nn.sigmoid(x)


def reference(P_coarse_b3n, P_fine_b3n, dP_coarse_b3n, F_skip_bcn, W1, g1, b1, W2, g2, b2, W3, b3):
    Q = jnp.transpose(P_fine_b3n, (0, 2, 1))      # [B, Nf, 3]
    P = jnp.transpose(P_coarse_b3n, (0, 2, 1))    # [B, Nc, 3]
    # pairwise squared distances [B, Nf, Nc]
    d2 = (jnp.sum(Q * Q, axis=-1)[:, :, None]
          + jnp.sum(P * P, axis=-1)[:, None, :]
          - 2.0 * jnp.einsum('bnd,bmd->bnm', Q, P))
    neg_d2k, idx = jax.lax.top_k(-d2, K)          # k smallest, ascending d2
    d2k = -neg_d2k
    d = jnp.sqrt(jnp.clip(d2k, 1e-12, None))
    w = 1.0 / (d ** P_POW)
    w = w / jnp.sum(w, axis=-1, keepdims=True)    # [B, Nf, K]
    dP_nc3 = jnp.transpose(dP_coarse_b3n, (0, 2, 1))  # [B, Nc, 3]
    nbr = jax.vmap(lambda pts, ix: pts[ix])(dP_nc3, idx)  # [B, Nf, K, 3]
    dP_interp = jnp.sum(nbr * w[..., None], axis=2)       # [B, Nf, 3]
    dP_interp_t = jnp.transpose(dP_interp, (0, 2, 1))     # [B, 3, Nf]
    x = jnp.concatenate([dP_interp_t, F_skip_bcn], axis=1)  # [B, 3+C_skip, Nf]
    h = jnp.einsum('oc,bcn->bon', W1, x)
    h = _silu(_group_norm(h, g1, b1))
    h = jnp.einsum('oc,bcn->bon', W2, h)
    h = _silu(_group_norm(h, g2, b2))
    delta = jnp.einsum('oc,bcn->bon', W3, h) + b3[None, :, None]
    return dP_interp_t + delta

if __name__ == "__main__":
    import jax
    _d = setup_inputs()
    print(jax.jit(kernel)(*tuple(_d.values())))

</pallas_src>

<mosaic_0001>
#map = affine_map<(d0, d1) -> (0, 0, 0)>
#map1 = affine_map<(d0, d1) -> (0, 0)>
module attributes {stable_mosaic.version = 14 : i64} {
  func.func @_sc_gather_body(%arg0: i32, %arg1: i32, %arg2: memref<4x3x8192xi32, #tpu.memory_space<hbm>>, %arg3: memref<4x3x8192xf32, #tpu.memory_space<hbm>>, %arg4: memref<4x6144xf32, #tpu.memory_space<hbm>>, %arg5: memref<4x3x8192xf32, #tpu.memory_space<hbm>>, %arg6: memref<3x1024xi32, #tpu.memory_space<vmem>>, %arg7: memref<3x1024xf32, #tpu.memory_space<vmem>>, %arg8: memref<6144xf32, #tpu.memory_space<vmem>>, %arg9: memref<3x1024xf32, #tpu.memory_space<vmem>>) attributes {dimension_semantics = [#tpu.dimension_semantics<core_parallel>, #tpu.dimension_semantics<subcore_parallel>], iteration_bounds = array<i64: 2, 16>, scalar_prefetch = 0 : i64, scratch_operands = 4 : i64, tpu.core_type = #tpu.core_type<sc_vector_subcore>, window_params = [{transform_indices = #map}, {transform_indices = #map}, {transform_indices = #map1}, {transform_indices = #map}]} {
    %mul3A = arith.constant 2 : i32
    %mul3A_0 = arith.muli %arg1, %mul3A : i32
    %add3A = arith.addi %mul3A_0, %arg0 : i32
    %jit3A = arith.constant 8 : i32
    %div3A = arith.divsi %add3A, %jit3A : i32
    %sign3A = arith.constant 0 : i32
    %sign3A_1 = arith.cmpi sgt, %add3A, %sign3A : i32
    %sign3A_2 = arith.extui %sign3A_1 : i1 to i32
    %sign3A_3 = arith.constant 0 : i32
    %sign3A_4 = arith.cmpi slt, %add3A, %sign3A_3 : i32
    %sign3A_5 = arith.extui %sign3A_4 : i1 to i32
    %sign3A_6 = arith.subi %sign3A_2, %sign3A_5 : i32
    %sign3A_7 = arith.constant 0 : i32
    %sign3A_8 = arith.cmpi sgt, %jit3A, %sign3A_7 : i32
    %sign3A_9 = arith.extui %sign3A_8 : i1 to i32
    %sign3A_10 = arith.constant 0 : i32
    %sign3A_11 = arith.cmpi slt, %jit3A, %sign3A_10 : i32
    %sign3A_12 = arith.extui %sign3A_11 : i1 to i32
    %sign3A_13 = arith.subi %sign3A_9, %sign3A_12 : i32
    %ne3A = arith.cmpi ne, %sign3A_6, %sign3A_13 : i32
    %rem3A = arith.remsi %add3A, %jit3A : i32
    %ne3A_14 = arith.constant 0 : i32
    %ne3A_15 = arith.cmpi ne, %rem3A, %ne3A_14 : i32
    %and3A = arith.andi %ne3A, %ne3A_15 : i1
    %sub3A = arith.constant 1 : i32
    %sub3A_16 = arith.subi %div3A, %sub3A : i32
    %select_n3A = arith.select %and3A, %sub3A_16, %div3A : i32
    %jit3A_17 = arith.constant 8 : i32
    %eq3A = arith.constant 0 : i32
    %eq3A_18 = arith.cmpi eq, %jit3A_17, %eq3A : i32
    %jit3A_19 = arith.constant 1 : i32
    %select_n3A_20 = arith.select %eq3A_18, %jit3A_19, %jit3A_17 : i32
    %rem3A_21 = arith.remsi %add3A, %select_n3A_20 : i32
    %ne3A_22 = arith.constant 0 : i32
    %ne3A_23 = arith.cmpi ne, %rem3A_21, %ne3A_22 : i32
    %lt3A = arith.constant 0 : i32
    %lt3A_24 = arith.cmpi slt, %rem3A_21, %lt3A : i32
    %lt3A_25 = arith.constant 0 : i32
    %lt3A_26 = arith.cmpi slt, %select_n3A_20, %lt3A_25 : i32
    %ne3A_27 = arith.xori %lt3A_24, %lt3A_26 : i1
    %and3A_28 = arith.andi %ne3A_27, %ne3A_23 : i1
    %add3A_29 = arith.addi %rem3A_21, %select_n3A_20 : i32
    %select_n3A_30 = arith.select %and3A_28, %add3A_29, %rem3A_21 : i32
    %mul3A_31 = arith.constant 1024 : i32
    %mul3A_32 = arith.muli %select_n3A_30, %mul3A_31 : i32
    "tpu.region"() ({
      %run_scoped3A = tpu.sem_alloc : memref<!tpu.dma_semaphore, #tpu.memory_space<semaphore_mem>>
      %dma_start3A = arith.constant 0 : i32
      %dma_start3A_38 = tpu.memref_slice %arg4[%select_n3A, %dma_start3A] : memref<4x6144xf32, #tpu.memory_space<hbm>> -> memref<1x6144xf32, #tpu.memory_space<hbm>>
      %dma_start3A_39 = tpu.memref_squeeze %dma_start3A_38 : memref<1x6144xf32, #tpu.memory_space<hbm>> -> memref<6144xf32, #tpu.memory_space<hbm>>
      %dma_start3A_40 = arith.constant 0 : i32
      %dma_start3A_41 = tpu.memref_slice %arg4[%select_n3A, %dma_start3A_40] : memref<4x6144xf32, #tpu.memory_space<hbm>> -> memref<1x6144xf32, #tpu.memory_space<hbm>>
      %dma_start3A_42 = tpu.memref_squeeze %dma_start3A_41 : memref<1x6144xf32, #tpu.memory_space<hbm>> -> memref<6144xf32, #tpu.memory_space<hbm>>
      tpu.enqueue_dma source(%dma_start3A_42 : memref<6144xf32, #tpu.memory_space<hbm>>) target(%arg8 : memref<6144xf32, #tpu.memory_space<vmem>>) target_semaphore(%run_scoped3A : memref<!tpu.dma_semaphore, #tpu.memory_space<semaphore_mem>>)
      %dma_wait3A = arith.constant 0 : i32
      %dma_wait3A_43 = tpu.memref_slice %arg4[%select_n3A, %dma_wait3A] : memref<4x6144xf32, #tpu.memory_space<hbm>> -> memref<1x6144xf32, #tpu.memory_space<hbm>>
      %dma_wait3A_44 = tpu.memref_squeeze %dma_wait3A_43 : memref<1x6144xf32, #tpu.memory_space<hbm>> -> memref<6144xf32, #tpu.memory_space<hbm>>
      %dma_wait3A_45 = arith.constant 0 : i32
      %dma_wait3A_46 = tpu.memref_slice %arg4[%select_n3A, %dma_wait3A_45] : memref<4x6144xf32, #tpu.memory_space<hbm>> -> memref<1x6144xf32, #tpu.memory_space<hbm>>
      %dma_wait3A_47 = tpu.memref_squeeze %dma_wait3A_46 : memref<1x6144xf32, #tpu.memory_space<hbm>> -> memref<6144xf32, #tpu.memory_space<hbm>>
      tpu.wait_dma2 semaphore(%run_scoped3A : memref<!tpu.dma_semaphore, #tpu.memory_space<semaphore_mem>>) src(%dma_wait3A_47 : memref<6144xf32, #tpu.memory_space<hbm>>) dst(%arg8 : memref<6144xf32, #tpu.memory_space<vmem>>)
      tpu.yield
    }) : () -> ()
    "tpu.region"() ({
      %run_scoped3A = tpu.sem_alloc : memref<!tpu.dma_semaphore, #tpu.memory_space<semaphore_mem>>
      %dma_start3A = arith.constant 0 : i32
      %dma_start3A_38 = tpu.memref_slice %arg2[%select_n3A, %dma_start3A, %mul3A_32] : memref<4x3x8192xi32, #tpu.memory_space<hbm>> -> memref<1x3x1024xi32, #tpu.memory_space<hbm>>
      %dma_start3A_39 = tpu.memref_squeeze %dma_start3A_38 : memref<1x3x1024xi32, #tpu.memory_space<hbm>> -> memref<3x1024xi32, #tpu.memory_space<hbm>>
      %dma_start3A_40 = arith.constant 0 : i32
      %dma_start3A_41 = tpu.memref_slice %arg2[%select_n3A, %dma_start3A_40, %mul3A_32] : memref<4x3x8192xi32, #tpu.memory_space<hbm>> -> memref<1x3x1024xi32, #tpu.memory_space<hbm>>
      %dma_start3A_42 = tpu.memref_squeeze %dma_start3A_41 : memref<1x3x1024xi32, #tpu.memory_space<hbm>> -> memref<3x1024xi32, #tpu.memory_space<hbm>>
      tpu.enqueue_dma source(%dma_start3A_42 : memref<3x1024xi32, #tpu.memory_space<hbm>>) target(%arg6 : memref<3x1024xi32, #tpu.memory_space<vmem>>) target_semaphore(%run_scoped3A : memref<!tpu.dma_semaphore, #tpu.memory_space<semaphore_mem>>)
      %dma_wait3A = arith.constant 0 : i32
      %dma_wait3A_43 = tpu.memref_slice %arg2[%select_n3A, %dma_wait3A, %mul3A_32] : memref<4x3x8192xi32, #tpu.memory_space<hbm>> -> memref<1x3x1024xi32, #tpu.memory_space<hbm>>
      %dma_wait3A_44 = tpu.memref_squeeze %dma_wait3A_43 : memref<1x3x1024xi32, #tpu.memory_space<hbm>> -> memref<3x1024xi32, #tpu.memory_space<hbm>>
      %dma_wait3A_45 = arith.constant 0 : i32
      %dma_wait3A_46 = tpu.memref_slice %arg2[%select_n3A, %dma_wait3A_45, %mul3A_32] : memref<4x3x8192xi32, #tpu.memory_space<hbm>> -> memref<1x3x1024xi32, #tpu.memory_space<hbm>>
      %dma_wait3A_47 = tpu.memref_squeeze %dma_wait3A_46 : memref<1x3x1024xi32, #tpu.memory_space<hbm>> -> memref<3x1024xi32, #tpu.memory_space<hbm>>
      tpu.wait_dma2 semaphore(%run_scoped3A : memref<!tpu.dma_semaphore, #tpu.memory_space<semaphore_mem>>) src(%dma_wait3A_47 : memref<3x1024xi32, #tpu.memory_space<hbm>>) dst(%arg6 : memref<3x1024xi32, #tpu.memory_space<vmem>>)
      tpu.yield
    }) : () -> ()
    "tpu.region"() ({
      %run_scoped3A = tpu.sem_alloc : memref<!tpu.dma_semaphore, #tpu.memory_space<semaphore_mem>>
      %dma_start3A = arith.constant 0 : i32
      %dma_start3A_38 = tpu.memref_slice %arg3[%select_n3A, %dma_start3A, %mul3A_32] : memref<4x3x8192xf32, #tpu.memory_space<hbm>> -> memref<1x3x1024xf32, #tpu.memory_space<hbm>>
      %dma_start3A_39 = tpu.memref_squeeze %dma_start3A_38 : memref<1x3x1024xf32, #tpu.memory_space<hbm>> -> memref<3x1024xf32, #tpu.memory_space<hbm>>
      %dma_start3A_40 = arith.constant 0 : i32
      %dma_start3A_41 = tpu.memref_slice %arg3[%select_n3A, %dma_start3A_40, %mul3A_32] : memref<4x3x8192xf32, #tpu.memory_space<hbm>> -> memref<1x3x1024xf32, #tpu.memory_space<hbm>>
      %dma_start3A_42 = tpu.memref_squeeze %dma_start3A_41 : memref<1x3x1024xf32, #tpu.memory_space<hbm>> -> memref<3x1024xf32, #tpu.memory_space<hbm>>
      tpu.enqueue_dma source(%dma_start3A_42 : memref<3x1024xf32, #tpu.memory_space<hbm>>) target(%arg7 : memref<3x1024xf32, #tpu.memory_space<vmem>>) target_semaphore(%run_scoped3A : memref<!tpu.dma_semaphore, #tpu.memory_space<semaphore_mem>>)
      %dma_wait3A = arith.constant 0 : i32
      %dma_wait3A_43 = tpu.memref_slice %arg3[%select_n3A, %dma_wait3A, %mul3A_32] : memref<4x3x8192xf32, #tpu.memory_space<hbm>> -> memref<1x3x1024xf32, #tpu.memory_space<hbm>>
      %dma_wait3A_44 = tpu.memref_squeeze %dma_wait3A_43 : memref<1x3x1024xf32, #tpu.memory_space<hbm>> -> memref<3x1024xf32, #tpu.memory_space<hbm>>
      %dma_wait3A_45 = arith.constant 0 : i32
      %dma_wait3A_46 = tpu.memref_slice %arg3[%select_n3A, %dma_wait3A_45, %mul3A_32] : memref<4x3x8192xf32, #tpu.memory_space<hbm>> -> memref<1x3x1024xf32, #tpu.memory_space<hbm>>
      %dma_wait3A_47 = tpu.memref_squeeze %dma_wait3A_46 : memref<1x3x1024xf32, #tpu.memory_space<hbm>> -> memref<3x1024xf32, #tpu.memory_space<hbm>>
      tpu.wait_dma2 semaphore(%run_scoped3A : memref<!tpu.dma_semaphore, #tpu.memory_space<semaphore_mem>>) src(%dma_wait3A_47 : memref<3x1024xf32, #tpu.memory_space<hbm>>) dst(%arg7 : memref<3x1024xf32, #tpu.memory_space<vmem>>)
      tpu.yield
    }) : () -> ()
    %scan3A = arith.constant 0 : i32
    %scan3A_33 = arith.constant 0 : i32
    %scan3A_34 = arith.constant 64 : i32
    %scan3A_35 = arith.addi %scan3A_33, %scan3A_34 : i32
    %scan3A_36 = arith.constant 1 : i32
    scf.for %scan3A_38 = %scan3A_33 to %scan3A_35 step %scan3A_36  : i32 {
      %mul3A_39 = arith.constant 16 : i32
      %mul3A_40 = arith.muli %scan3A_38, %mul3A_39 : i32
      %broadcast_in_dim3A = arith.constant 0.000000e+00 : f32
      %broadcast_in_dim3A_41 = vector.broadcast %broadcast_in_dim3A : f32 to vector<16xf32>
      %get3A = arith.constant 0 : i32
      %get3A_42 = arith.index_cast %get3A : i32 to index
      %get3A_43 = arith.index_cast %mul3A_40 : i32 to index
      %get3A_44 = tpu.vector_load %arg6[%get3A_42, %get3A_43] {strides = array<i32>} : memref<3x1024xi32, #tpu.memory_space<vmem>>, vector<16xi32>,
      %add3A_45 = arith.constant 0 : i32
      %add3A_46 = vector.broadcast %add3A_45 : i32 to vector<16xi32>
      %add3A_47 = arith.addi %get3A_44, %add3A_46 : vector<16xi32>
      %gather3A = tpu.vector_load_idx %arg8[%add3A_47] : memref<6144xf32, #tpu.memory_space<vmem>>[vector<16xi32>], vector<16xf32>,
      %get3A_48 = arith.constant 0 : i32
      %get3A_49 = arith.index_cast %get3A_48 : i32 to index
      %get3A_50 = arith.index_cast %mul3A_40 : i32 to index
      %get3A_51 = tpu.vector_load %arg7[%get3A_49, %get3A_50] {strides = array<i32>} : memref<3x1024xf32, #tpu.memory_space<vmem>>, vector<16xf32>,
      %mul3A_52 = arith.mulf %get3A_51, %gather3A : vector<16xf32>
      %add3A_53 = arith.addf %broadcast_in_dim3A_41, %mul3A_52 : vector<16xf32>
      %get3A_54 = arith.constant 1 : i32
      %get3A_55 = arith.index_cast %get3A_54 : i32 to index
      %get3A_56 = arith.index_cast %mul3A_40 : i32 to index
      %get3A_57 = tpu.vector_load %arg6[%get3A_55, %get3A_56] {strides = array<i32>} : memref<3x1024xi32, #tpu.memory_space<vmem>>, vector<16xi32>,
      %add3A_58 = arith.constant 0 : i32
      %add3A_59 = vector.broadcast %add3A_58 : i32 to vector<16xi32>
      %add3A_60 = arith.addi %get3A_57, %add3A_59 : vector<16xi32>
      %gather3A_61 = tpu.vector_load_idx %arg8[%add3A_60] : memref<6144xf32, #tpu.memory_space<vmem>>[vector<16xi32>], vector<16xf32>,
      %get3A_62 = arith.constant 1 : i32
      %get3A_63 = arith.index_cast %get3A_62 : i32 to index
      %get3A_64 = arith.index_cast %mul3A_40 : i32 to index
      %get3A_65 = tpu.vector_load %arg7[%get3A_63, %get3A_64] {strides = array<i32>} : memref<3x1024xf32, #tpu.memory_space<vmem>>, vector<16xf32>,
      %mul3A_66 = arith.mulf %get3A_65, %gather3A_61 : vector<16xf32>
      %add3A_67 = arith.addf %add3A_53, %mul3A_66 : vector<16xf32>
      %get3A_68 = arith.constant 2 : i32
      %get3A_69 = arith.index_cast %get3A_68 : i32 to index
      %get3A_70 = arith.index_cast %mul3A_40 : i32 to index
      %get3A_71 = tpu.vector_load %arg6[%get3A_69, %get3A_70] {strides = array<i32>} : memref<3x1024xi32, #tpu.memory_space<vmem>>, vector<16xi32>,
      %add3A_72 = arith.constant 0 : i32
      %add3A_73 = vector.broadcast %add3A_72 : i32 to vector<16xi32>
      %add3A_74 = arith.addi %get3A_71, %add3A_73 : vector<16xi32>
      %gather3A_75 = tpu.vector_load_idx %arg8[%add3A_74] : memref<6144xf32, #tpu.memory_space<vmem>>[vector<16xi32>], vector<16xf32>,
      %get3A_76 = arith.constant 2 : i32
      %get3A_77 = arith.index_cast %get3A_76 : i32 to index
      %get3A_78 = arith.index_cast %mul3A_40 : i32 to index
      %get3A_79 = tpu.vector_load %arg7[%get3A_77, %get3A_78] {strides = array<i32>} : memref<3x1024xf32, #tpu.memory_space<vmem>>, vector<16xf32>,
      %mul3A_80 = arith.mulf %get3A_79, %gather3A_75 : vector<16xf32>
      %add3A_81 = arith.addf %add3A_67, %mul3A_80 : vector<16xf32>
      %swap3A = arith.constant 0 : i32
      %swap3A_82 = arith.index_cast %swap3A : i32 to index
      %swap3A_83 = arith.index_cast %mul3A_40 : i32 to index
      %swap3A_84 = tpu.vector_load %arg9[%swap3A_82, %swap3A_83] {strides = array<i32>} : memref<3x1024xf32, #tpu.memory_space<vmem>>, vector<16xf32>,
      tpu.vector_store %arg9[%swap3A_82, %swap3A_83], %add3A_81 {strides = array<i32>} : memref<3x1024xf32, #tpu.memory_space<vmem>>, vector<16xf32>,
      %broadcast_in_dim3A_85 = arith.constant 0.000000e+00 : f32
      %broadcast_in_dim3A_86 = vector.broadcast %broadcast_in_dim3A_85 : f32 to vector<16xf32>
      %get3A_87 = arith.constant 0 : i32
      %get3A_88 = arith.index_cast %get3A_87 : i32 to index
      %get3A_89 = arith.index_cast %mul3A_40 : i32 to index
      %get3A_90 = tpu.vector_load %arg6[%get3A_88, %get3A_89] {strides = array<i32>} : memref<3x1024xi32, #tpu.memory_space<vmem>>, vector<16xi32>,
      %add3A_91 = arith.constant 2048 : i32
      %add3A_92 = vector.broadcast %add3A_91 : i32 to vector<16xi32>
      %add3A_93 = arith.addi %get3A_90, %add3A_92 : vector<16xi32>
      %gather3A_94 = tpu.vector_load_idx %arg8[%add3A_93] : memref<6144xf32, #tpu.memory_space<vmem>>[vector<16xi32>], vector<16xf32>,
      %get3A_95 = arith.constant 0 : i32
      %get3A_96 = arith.index_cast %get3A_95 : i32 to index
      %get3A_97 = arith.index_cast %mul3A_40 : i32 to index
      %get3A_98 = tpu.vector_load %arg7[%get3A_96, %get3A_97] {strides = array<i32>} : memref<3x1024xf32, #tpu.memory_space<vmem>>, vector<16xf32>,
      %mul3A_99 = arith.mulf %get3A_98, %gather3A_94 : vector<16xf32>
      %add3A_100 = arith.addf %broadcast_in_dim3A_86, %mul3A_99 : vector<16xf32>
      %get3A_101 = arith.constant 1 : i32
      %get3A_102 = arith.index_cast %get3A_101 : i32 to index
      %get3A_103 = arith.index_cast %mul3A_40 : i32 to index
      %get3A_104 = tpu.vector_load %arg6[%get3A_102, %get3A_103] {strides = array<i32>} : memref<3x1024xi32, #tpu.memory_space<vmem>>, vector<16xi32>,
      %add3A_105 = arith.constant 2048 : i32
      %add3A_106 = vector.broadcast %add3A_105 : i32 to vector<16xi32>
      %add3A_107 = arith.addi %get3A_104, %add3A_106 : vector<16xi32>
      %gather3A_108 = tpu.vector_load_idx %arg8[%add3A_107] : memref<6144xf32, #tpu.memory_space<vmem>>[vector<16xi32>], vector<16xf32>,
      %get3A_109 = arith.constant 1 : i32
      %get3A_110 = arith.index_cast %get3A_109 : i32 to index
      %get3A_111 = arith.index_cast %mul3A_40 : i32 to index
      %get3A_112 = tpu.vector_load %arg7[%get3A_110, %get3A_111] {strides = array<i32>} : memref<3x1024xf32, #tpu.memory_space<vmem>>, vector<16xf32>,
      %mul3A_113 = arith.mulf %get3A_112, %gather3A_108 : vector<16xf32>
      %add3A_114 = arith.addf %add3A_100, %mul3A_113 : vector<16xf32>
      %get3A_115 = arith.constant 2 : i32
      %get3A_116 = arith.index_cast %get3A_115 : i32 to index
      %get3A_117 = arith.index_cast %mul3A_40 : i32 to index
      %get3A_118 = tpu.vector_load %arg6[%get3A_116, %get3A_117] {strides = array<i32>} : memref<3x1024xi32, #tpu.memory_space<vmem>>, vector<16xi32>,
      %add3A_119 = arith.constant 2048 : i32
      %add3A_120 = vector.broadcast %add3A_119 : i32 to vector<16xi32>
      %add3A_121 = arith.addi %get3A_118, %add3A_120 : vector<16xi32>
      %gather3A_122 = tpu.vector_load_idx %arg8[%add3A_121] : memref<6144xf32, #tpu.memory_space<vmem>>[vector<16xi32>], vector<16xf32>,
      %get3A_123 = arith.constant 2 : i32
      %get3A_124 = arith.index_cast %get3A_123 : i32 to index
      %get3A_125 = arith.index_cast %mul3A_40 : i32 to index
      %get3A_126 = tpu.vector_load %arg7[%get3A_124, %get3A_125] {strides = array<i32>} : memref<3x1024xf32, #tpu.memory_space<vmem>>, vector<16xf32>,
      %mul3A_127 = arith.mulf %get3A_126, %gather3A_122 : vector<16xf32>
      %add3A_128 = arith.addf %add3A_114, %mul3A_127 : vector<16xf32>
      %swap3A_129 = arith.constant 1 : i32
      %swap3A_130 = arith.index_cast %swap3A_129 : i32 to index
      %swap3A_131 = arith.index_cast %mul3A_40 : i32 to index
      %swap3A_132 = tpu.vector_load %arg9[%swap3A_130, %swap3A_131] {strides = array<i32>} : memref<3x1024xf32, #tpu.memory_space<vmem>>, vector<16xf32>,
      tpu.vector_store %arg9[%swap3A_130, %swap3A_131], %add3A_128 {strides = array<i32>} : memref<3x1024xf32, #tpu.memory_space<vmem>>, vector<16xf32>,
      %broadcast_in_dim3A_133 = arith.constant 0.000000e+00 : f32
      %broadcast_in_dim3A_134 = vector.broadcast %broadcast_in_dim3A_133 : f32 to vector<16xf32>
      %get3A_135 = arith.constant 0 : i32
      %get3A_136 = arith.index_cast %get3A_135 : i32 to index
      %get3A_137 = arith.index_cast %mul3A_40 : i32 to index
      %get3A_138 = tpu.vector_load %arg6[%get3A_136, %get3A_137] {strides = array<i32>} : memref<3x1024xi32, #tpu.memory_space<vmem>>, vector<16xi32>,
      %add3A_139 = arith.constant 4096 : i32
      %add3A_140 = vector.broadcast %add3A_139 : i32 to vector<16xi32>
      %add3A_141 = arith.addi %get3A_138, %add3A_140 : vector<16xi32>
      %gather3A_142 = tpu.vector_load_idx %arg8[%add3A_141] : memref<6144xf32, #tpu.memory_space<vmem>>[vector<16xi32>], vector<16xf32>,
      %get3A_143 = arith.constant 0 : i32
      %get3A_144 = arith.index_cast %get3A_143 : i32 to index
      %get3A_145 = arith.index_cast %mul3A_40 : i32 to index
      %get3A_146 = tpu.vector_load %arg7[%get3A_144, %get3A_145] {strides = array<i32>} : memref<3x1024xf32, #tpu.memory_space<vmem>>, vector<16xf32>,
      %mul3A_147 = arith.mulf %get3A_146, %gather3A_142 : vector<16xf32>
      %add3A_148 = arith.addf %broadcast_in_dim3A_134, %mul3A_147 : vector<16xf32>
      %get3A_149 = arith.constant 1 : i32
      %get3A_150 = arith.index_cast %get3A_149 : i32 to index
      %get3A_151 = arith.index_cast %mul3A_40 : i32 to index
      %get3A_152 = tpu.vector_load %arg6[%get3A_150, %get3A_151] {strides = array<i32>} : memref<3x1024xi32, #tpu.memory_space<vmem>>, vector<16xi32>,
      %add3A_153 = arith.constant 4096 : i32
      %add3A_154 = vector.broadcast %add3A_153 : i32 to vector<16xi32>
      %add3A_155 = arith.addi %get3A_152, %add3A_154 : vector<16xi32>
      %gather3A_156 = tpu.vector_load_idx %arg8[%add3A_155] : memref<6144xf32, #tpu.memory_space<vmem>>[vector<16xi32>], vector<16xf32>,
      %get3A_157 = arith.constant 1 : i32
      %get3A_158 = arith.index_cast %get3A_157 : i32 to index
      %get3A_159 = arith.index_cast %mul3A_40 : i32 to index
      %get3A_160 = tpu.vector_load %arg7[%get3A_158, %get3A_159] {strides = array<i32>} : memref<3x1024xf32, #tpu.memory_space<vmem>>, vector<16xf32>,
      %mul3A_161 = arith.mulf %get3A_160, %gather3A_156 : vector<16xf32>
      %add3A_162 = arith.addf %add3A_148, %mul3A_161 : vector<16xf32>
      %get3A_163 = arith.constant 2 : i32
      %get3A_164 = arith.index_cast %get3A_163 : i32 to index
      %get3A_165 = arith.index_cast %mul3A_40 : i32 to index
      %get3A_166 = tpu.vector_load %arg6[%get3A_164, %get3A_165] {strides = array<i32>} : memref<3x1024xi32, #tpu.memory_space<vmem>>, vector<16xi32>,
      %add3A_167 = arith.constant 4096 : i32
      %add3A_168 = vector.broadcast %add3A_167 : i32 to vector<16xi32>
      %add3A_169 = arith.addi %get3A_166, %add3A_168 : vector<16xi32>
      %gather3A_170 = tpu.vector_load_idx %arg8[%add3A_169] : memref<6144xf32, #tpu.memory_space<vmem>>[vector<16xi32>], vector<16xf32>,
      %get3A_171 = arith.constant 2 : i32
      %get3A_172 = arith.index_cast %get3A_171 : i32 to index
      %get3A_173 = arith.index_cast %mul3A_40 : i32 to index
      %get3A_174 = tpu.vector_load %arg7[%get3A_172, %get3A_173] {strides = array<i32>} : memref<3x1024xf32, #tpu.memory_space<vmem>>, vector<16xf32>,
      %mul3A_175 = arith.mulf %get3A_174, %gather3A_170 : vector<16xf32>
      %add3A_176 = arith.addf %add3A_162, %mul3A_175 : vector<16xf32>
      %swap3A_177 = arith.constant 2 : i32
      %swap3A_178 = arith.index_cast %swap3A_177 : i32 to index
      %swap3A_179 = arith.index_cast %mul3A_40 : i32 to index
      %swap3A_180 = tpu.vector_load %arg9[%swap3A_178, %swap3A_179] {strides = array<i32>} : memref<3x1024xf32, #tpu.memory_space<vmem>>, vector<16xf32>,
      tpu.vector_store %arg9[%swap3A_178, %swap3A_179], %add3A_176 {strides = array<i32>} : memref<3x1024xf32, #tpu.memory_space<vmem>>, vector<16xf32>,
    }
    %scan3A_37 = arith.constant 64 : i32
    "tpu.region"() ({
      %run_scoped3A = tpu.sem_alloc : memref<!tpu.dma_semaphore, #tpu.memory_space<semaphore_mem>>
      %dma_start3A = arith.constant 0 : i32
      %dma_start3A_38 = tpu.memref_slice %arg5[%select_n3A, %dma_start3A, %mul3A_32] : memref<4x3x8192xf32, #tpu.memory_space<hbm>> -> memref<1x3x1024xf32, #tpu.memory_space<hbm>>
      %dma_start3A_39 = tpu.memref_squeeze %dma_start3A_38 : memref<1x3x1024xf32, #tpu.memory_space<hbm>> -> memref<3x1024xf32, #tpu.memory_space<hbm>>
      %dma_start3A_40 = arith.constant 0 : i32
      %dma_start3A_41 = tpu.memref_slice %arg5[%select_n3A, %dma_start3A_40, %mul3A_32] : memref<4x3x8192xf32, #tpu.memory_space<hbm>> -> memref<1x3x1024xf32, #tpu.memory_space<hbm>>
      %dma_start3A_42 = tpu.memref_squeeze %dma_start3A_41 : memref<1x3x1024xf32, #tpu.memory_space<hbm>> -> memref<3x1024xf32, #tpu.memory_space<hbm>>
      tpu.enqueue_dma source(%arg9 : memref<3x1024xf32, #tpu.memory_space<vmem>>) target(%dma_start3A_42 : memref<3x1024xf32, #tpu.memory_space<hbm>>) target_semaphore(%run_scoped3A : memref<!tpu.dma_semaphore, #tpu.memory_space<semaphore_mem>>)
      %dma_wait3A = arith.constant 0 : i32
      %dma_wait3A_43 = tpu.memref_slice %arg5[%select_n3A, %dma_wait3A, %mul3A_32] : memref<4x3x8192xf32, #tpu.memory_space<hbm>> -> memref<1x3x1024xf32, #tpu.memory_space<hbm>>
      %dma_wait3A_44 = tpu.memref_squeeze %dma_wait3A_43 : memref<1x3x1024xf32, #tpu.memory_space<hbm>> -> memref<3x1024xf32, #tpu.memory_space<hbm>>
      %dma_wait3A_45 = arith.constant 0 : i32
      %dma_wait3A_46 = tpu.memref_slice %arg5[%select_n3A, %dma_wait3A_45, %mul3A_32] : memref<4x3x8192xf32, #tpu.memory_space<hbm>> -> memref<1x3x1024xf32, #tpu.memory_space<hbm>>
      %dma_wait3A_47 = tpu.memref_squeeze %dma_wait3A_46 : memref<1x3x1024xf32, #tpu.memory_space<hbm>> -> memref<3x1024xf32, #tpu.memory_space<hbm>>
      tpu.wait_dma2 semaphore(%run_scoped3A : memref<!tpu.dma_semaphore, #tpu.memory_space<semaphore_mem>>) src(%arg9 : memref<3x1024xf32, #tpu.memory_space<vmem>>) dst(%dma_wait3A_47 : memref<3x1024xf32, #tpu.memory_space<hbm>>)
      tpu.yield
    }) : () -> ()
    return
  }
}

module attributes {stable_mosaic.version = 14 : i64} {
  func.func @_knn_body(%arg0: i32, %arg1: i32, %arg2: memref<1x2048x3xf32, #tpu.memory_space<vmem>>, %arg3: memref<1x2048x3xbf16, #tpu.memory_space<vmem>>, %arg4: memref<1x3x1024xbf16, #tpu.memory_space<vmem>>, %arg5: memref<1x3x1024xf32, #tpu.memory_space<vmem>>, %arg6: memref<1x3x1024xi32, #tpu.memory_space<vmem>>, %arg7: memref<1x3x1024xf32, #tpu.memory_space<vmem>>, %arg8: memref<2048x7xf32, #tpu.memory_space<vmem>>, %arg9: memref<4x64x8x1024xf32, #tpu.memory_space<vmem>>) attributes {dimension_semantics = [#tpu.dimension_semantics<arbitrary>, #tpu.dimension_semantics<arbitrary>], iteration_bounds = array<i64: 4, 8>, scalar_prefetch = 0 : i64, scratch_operands = 2 : i64, tpu.core_type = #tpu.core_type<tc>, window_params = [{transform_indices = @transform_0, window_bounds = array<i64: 1, 2048, 3>}, {transform_indices = @transform_1, window_bounds = array<i64: 1, 2048, 3>}, {transform_indices = @transform_2, window_bounds = array<i64: 1, 3, 1024>}, {transform_indices = @transform_3, window_bounds = array<i64: 1, 3, 1024>}, {transform_indices = @transform_4, window_bounds = array<i64: 1, 3, 1024>}, {transform_indices = @transform_5, window_bounds = array<i64: 1, 3, 1024>}]} {
    %eq3A = arith.constant 0 : i32
    %eq3A_0 = arith.cmpi eq, %arg1, %eq3A : i32
    %convert_element_type3A = arith.extui %eq3A_0 : i1 to i32
    %cond3A = arith.constant 0 : i32
    %cond3A_1 = arith.cmpi ne, %convert_element_type3A, %cond3A : i32
    scf.if %cond3A_1 {
      %get3A_109 = arith.constant 0 : index
      %get3A_110 = arith.constant 0 : index
      %get3A_111 = arith.constant 0 : index
      %get3A_112 = vector.load %arg2[%get3A_109, %get3A_110, %get3A_111] : memref<1x2048x3xf32, #tpu.memory_space<vmem>>, vector<1x2048x3xf32>
      %get3A_113 = vector.shape_cast %get3A_112 : vector<1x2048x3xf32> to vector<2048x3xf32>
      %slice3A_114 = vector.extract_strided_slice %get3A_113 {offsets = [0, 0], sizes = [2048, 1], strides = [1, 1]} : vector<2048x3xf32> to vector<2048x1xf32>
      %slice3A_115 = vector.extract_strided_slice %get3A_113 {offsets = [0, 0], sizes = [2048, 1], strides = [1, 1]} : vector<2048x3xf32> to vector<2048x1xf32>
      %mul3A_116 = arith.mulf %slice3A_114, %slice3A_115 : vector<2048x1xf32>
      %slice3A_117 = vector.extract_strided_slice %get3A_113 {offsets = [0, 1], sizes = [2048, 1], strides = [1, 1]} : vector<2048x3xf32> to vector<2048x1xf32>
      %slice3A_118 = vector.extract_strided_slice %get3A_113 {offsets = [0, 1], sizes = [2048, 1], strides = [1, 1]} : vector<2048x3xf32> to vector<2048x1xf32>
      %mul3A_119 = arith.mulf %slice3A_117, %slice3A_118 : vector<2048x1xf32>
      %add3A_120 = arith.addf %mul3A_116, %mul3A_119 : vector<2048x1xf32>
      %slice3A_121 = vector.extract_strided_slice %get3A_113 {offsets = [0, 2], sizes = [2048, 1], strides = [1, 1]} : vector<2048x3xf32> to vector<2048x1xf32>
      %slice3A_122 = vector.extract_strided_slice %get3A_113 {offsets = [0, 2], sizes = [2048, 1], strides = [1, 1]} : vector<2048x3xf32> to vector<2048x1xf32>
      %mul3A_123 = arith.mulf %slice3A_121, %slice3A_122 : vector<2048x1xf32>
      %add3A_124 = arith.addf %add3A_120, %mul3A_123 : vector<2048x1xf32>
      %convert_element_type3A_125 = arith.truncf %add3A_124 : vector<2048x1xf32> to vector<2048x1xbf16>
      %convert_element_type3A_126 = arith.extf %convert_element_type3A_125 : vector<2048x1xbf16> to vector<2048x1xf32>
      %sub3A_127 = arith.subf %add3A_124, %convert_element_type3A_126 : vector<2048x1xf32>
      %broadcast_in_dim3A_128 = arith.constant 1.000000e+00 : f32
      %broadcast_in_dim3A_129 = vector.broadcast %broadcast_in_dim3A_128 : f32 to vector<2048x1xf32>
      %get3A_130 = arith.constant 0 : index
      %get3A_131 = arith.constant 0 : index
      %get3A_132 = arith.constant 0 : index
      %get3A_133 = vector.load %arg3[%get3A_130, %get3A_131, %get3A_132] : memref<1x2048x3xbf16, #tpu.memory_space<vmem>>, vector<1x2048x3xbf16>
      %get3A_134 = vector.shape_cast %get3A_133 : vector<1x2048x3xbf16> to vector<2048x3xbf16>
      %convert_element_type3A_135 = arith.extf %get3A_134 : vector<2048x3xbf16> to vector<2048x3xf32>
      %mul3A_136 = arith.constant -2.000000e+00 : f32
      %mul3A_137 = vector.broadcast %mul3A_136 : f32 to vector<2048x3xf32>
      %mul3A_138 = arith.mulf %mul3A_137, %convert_element_type3A_135 : vector<2048x3xf32>
      %concatenate3A_139 = tpu.concatenate %mul3A_138, %convert_element_type3A_126, %sub3A_127, %broadcast_in_dim3A_129, %broadcast_in_dim3A_129 in 1 : vector<2048x3xf32>, vector<2048x1xf32>, vector<2048x1xf32>, vector<2048x1xf32>, vector<2048x1xf32> -> vector<2048x7xf32>
      %swap3A_140 = arith.constant 0 : index
      %swap3A_141 = arith.constant 0 : index
      %swap3A_142 = vector.load %arg8[%swap3A_140, %swap3A_141] : memref<2048x7xf32, #tpu.memory_space<vmem>>, vector<2048x7xf32>
      tpu.vector_store %arg8[%swap3A_140, %swap3A_141], %concatenate3A_139 {strides = array<i32>} : memref<2048x7xf32, #tpu.memory_space<vmem>>, vector<2048x7xf32>,
    } else {
    }
    %get3A = arith.constant 0 : index
    %get3A_2 = arith.constant 0 : index
    %get3A_3 = arith.constant 0 : index
    %get3A_4 = vector.load %arg5[%get3A, %get3A_2, %get3A_3] : memref<1x3x1024xf32, #tpu.memory_space<vmem>>, vector<1x3x1024xf32>
    %get3A_5 = vector.shape_cast %get3A_4 : vector<1x3x1024xf32> to vector<3x1024xf32>
    %slice3A = vector.extract_strided_slice %get3A_5 {offsets = [0, 0], sizes = [1, 1024], strides = [1, 1]} : vector<3x1024xf32> to vector<1x1024xf32>
    %slice3A_6 = vector.extract_strided_slice %get3A_5 {offsets = [0, 0], sizes = [1, 1024], strides = [1, 1]} : vector<3x1024xf32> to vector<1x1024xf32>
    %mul3A = arith.mulf %slice3A, %slice3A_6 : vector<1x1024xf32>
    %slice3A_7 = vector.extract_strided_slice %get3A_5 {offsets = [1, 0], sizes = [1, 1024], strides = [1, 1]} : vector<3x1024xf32> to vector<1x1024xf32>
    %slice3A_8 = vector.extract_strided_slice %get3A_5 {offsets = [1, 0], sizes = [1, 1024], strides = [1, 1]} : vector<3x1024xf32> to vector<1x1024xf32>
    %mul3A_9 = arith.mulf %slice3A_7, %slice3A_8 : vector<1x1024xf32>
    %add3A = arith.addf %mul3A, %mul3A_9 : vector<1x1024xf32>
    %slice3A_10 = vector.extract_strided_slice %get3A_5 {offsets = [2, 0], sizes = [1, 1024], strides = [1, 1]} : vector<3x1024xf32> to vector<1x1024xf32>
    %slice3A_11 = vector.extract_strided_slice %get3A_5 {offsets = [2, 0], sizes = [1, 1024], strides = [1, 1]} : vector<3x1024xf32> to vector<1x1024xf32>
    %mul3A_12 = arith.mulf %slice3A_10, %slice3A_11 : vector<1x1024xf32>
    %add3A_13 = arith.addf %add3A, %mul3A_12 : vector<1x1024xf32>
    %convert_element_type3A_14 = arith.truncf %add3A_13 : vector<1x1024xf32> to vector<1x1024xbf16>
    %convert_element_type3A_15 = arith.extf %convert_element_type3A_14 : vector<1x1024xbf16> to vector<1x1024xf32>
    %sub3A = arith.subf %add3A_13, %convert_element_type3A_15 : vector<1x1024xf32>
    %broadcast_in_dim3A = arith.constant 1.000000e+00 : f32
    %broadcast_in_dim3A_16 = vector.broadcast %broadcast_in_dim3A : f32 to vector<1x1024xf32>
    %get3A_17 = arith.constant 0 : index
    %get3A_18 = arith.constant 0 : index
    %get3A_19 = arith.constant 0 : index
    %get3A_20 = vector.load %arg4[%get3A_17, %get3A_18, %get3A_19] : memref<1x3x1024xbf16, #tpu.memory_space<vmem>>, vector<1x3x1024xbf16>
    %get3A_21 = vector.shape_cast %get3A_20 : vector<1x3x1024xbf16> to vector<3x1024xbf16>
    %convert_element_type3A_22 = arith.extf %get3A_21 : vector<3x1024xbf16> to vector<3x1024xf32>
    %concatenate3A = tpu.concatenate %convert_element_type3A_22, %broadcast_in_dim3A_16, %broadcast_in_dim3A_16, %convert_element_type3A_15, %sub3A in 0 : vector<3x1024xf32>, vector<1x1024xf32>, vector<1x1024xf32>, vector<1x1024xf32>, vector<1x1024xf32> -> vector<7x1024xf32>
    %get3A_23 = arith.constant 0 : index
    %get3A_24 = arith.constant 0 : index
    %get3A_25 = vector.load %arg8[%get3A_23, %get3A_24] : memref<2048x7xf32, #tpu.memory_space<vmem>>, vector<2048x7xf32>
    %convert_element_type3A_26 = arith.truncf %get3A_25 : vector<2048x7xf32> to vector<2048x7xbf16>
    %convert_element_type3A_27 = arith.truncf %concatenate3A : vector<7x1024xf32> to vector<7x1024xbf16>
    %dot_general3A = arith.constant dense<0.000000e+00> : vector<2048x1024xf32>
    %dot_general3A_28 = tpu.matmul %convert_element_type3A_26, %convert_element_type3A_27, %dot_general3A {dimension_numbers = #tpu.dot_dimension_numbers<[1], [0], [0], [1], [0, 0, 1, 1], [], []>, transpose_lhs_hint = false} : vector<2048x7xbf16>, vector<7x1024xbf16>, vector<2048x1024xf32> -> vector<2048x1024xf32>
    %iota3A = tpu.iota {dimensions = array<i32: 0>} : vector<2048x1024xi32>
    %bitcast_convert_type3A = tpu.bitcast %dot_general3A_28 : vector<2048x1024xf32> -> vector<2048x1024xi32>
    %and3A = arith.constant -2048 : i32
    %and3A_29 = vector.broadcast %and3A : i32 to vector<2048x1024xi32>
    %and3A_30 = arith.andi %bitcast_convert_type3A, %and3A_29 : vector<2048x1024xi32>
    %or3A = arith.ori %and3A_30, %iota3A : vector<2048x1024xi32>
    %bitcast_convert_type3A_31 = tpu.bitcast %or3A : vector<2048x1024xi32> -> vector<2048x1024xf32>
    %reshape3A = vector.shape_cast %bitcast_convert_type3A_31 : vector<2048x1024xf32> to vector<4x64x8x1024xf32>
    %swap3A = arith.constant 0 : index
    %swap3A_32 = arith.constant 0 : index
    %swap3A_33 = arith.constant 0 : index
    %swap3A_34 = arith.constant 0 : index
    %swap3A_35 = vector.load %arg9[%swap3A, %swap3A_32, %swap3A_33, %swap3A_34] : memref<4x64x8x1024xf32, #tpu.memory_space<vmem>>, vector<4x64x8x1024xf32>
    tpu.vector_store %arg9[%swap3A, %swap3A_32, %swap3A_33, %swap3A_34], %reshape3A {strides = array<i32>} : memref<4x64x8x1024xf32, #tpu.memory_space<vmem>>, vector<4x64x8x1024xf32>,
    %broadcast_in_dim3A_36 = arith.constant 0x7F800000 : f32
    %broadcast_in_dim3A_37 = vector.broadcast %broadcast_in_dim3A_36 : f32 to vector<8x1024xf32>
    %scan3A = arith.constant 0 : i32
    %scan3A_38 = arith.constant 64 : i32
    %scan3A_39 = arith.addi %scan3A, %scan3A_38 : i32
    %scan3A_40 = arith.constant 2 : i32
    %scan3A_41:12 = scf.for %scan3A_109 = %scan3A to %scan3A_39 step %scan3A_40 iter_args(%scan3A_110 = %broadcast_in_dim3A_37, %scan3A_111 = %broadcast_in_dim3A_37, %scan3A_112 = %broadcast_in_dim3A_37, %scan3A_113 = %broadcast_in_dim3A_37, %scan3A_114 = %broadcast_in_dim3A_37, %scan3A_115 = %broadcast_in_dim3A_37, %scan3A_116 = %broadcast_in_dim3A_37, %scan3A_117 = %broadcast_in_dim3A_37, %scan3A_118 = %broadcast_in_dim3A_37, %scan3A_119 = %broadcast_in_dim3A_37, %scan3A_120 = %broadcast_in_dim3A_37, %scan3A_121 = %broadcast_in_dim3A_37) -> (vector<8x1024xf32>, vector<8x1024xf32>, vector<8x1024xf32>, vector<8x1024xf32>, vector<8x1024xf32>, vector<8x1024xf32>, vector<8x1024xf32>, vector<8x1024xf32>, vector<8x1024xf32>, vector<8x1024xf32>, vector<8x1024xf32>, vector<8x1024xf32>)  : i32 {
      %get3A_122 = arith.constant 0 : index
      %get3A_123 = arith.index_cast %scan3A_109 : i32 to index
      %get3A_124 = arith.constant 0 : index
      %get3A_125 = arith.constant 0 : index
      %get3A_126 = vector.load %arg9[%get3A_122, %get3A_123, %get3A_124, %get3A_125] : memref<4x64x8x1024xf32, #tpu.memory_space<vmem>>, vector<1x1x8x1024xf32>
      %get3A_127 = vector.shape_cast %get3A_126 : vector<1x1x8x1024xf32> to vector<8x1024xf32>
      %min3A = arith.minimumf %scan3A_110, %get3A_127 : vector<8x1024xf32>
      %max3A_128 = arith.maximumf %scan3A_110, %get3A_127 : vector<8x1024xf32>
      %min3A_129 = arith.minimumf %scan3A_111, %max3A_128 : vector<8x1024xf32>
      %max3A_130 = arith.maximumf %scan3A_111, %get3A_127 : vector<8x1024xf32>
      %min3A_131 = arith.minimumf %scan3A_112, %max3A_130 : vector<8x1024xf32>
      %get3A_132 = arith.constant 1 : index
      %get3A_133 = arith.index_cast %scan3A_109 : i32 to index
      %get3A_134 = arith.constant 0 : index
      %get3A_135 = arith.constant 0 : index
      %get3A_136 = vector.load %arg9[%get3A_132, %get3A_133, %get3A_134, %get3A_135] : memref<4x64x8x1024xf32, #tpu.memory_space<vmem>>, vector<1x1x8x1024xf32>
      %get3A_137 = vector.shape_cast %get3A_136 : vector<1x1x8x1024xf32> to vector<8x1024xf32>
      %min3A_138 = arith.minimumf %scan3A_113, %get3A_137 : vector<8x1024xf32>
      %max3A_139 = arith.maximumf %scan3A_113, %get3A_137 : vector<8x1024xf32>
      %min3A_140 = arith.minimumf %scan3A_114, %max3A_139 : vector<8x1024xf32>
      %max3A_141 = arith.maximumf %scan3A_114, %get3A_137 : vector<8x1024xf32>
      %min3A_142 = arith.minimumf %scan3A_115, %max3A_141 : vector<8x1024xf32>
      %get3A_143 = arith.constant 2 : index
      %get3A_144 = arith.index_cast %scan3A_109 : i32 to index
      %get3A_145 = arith.constant 0 : index
      %get3A_146 = arith.constant 0 : index
      %get3A_147 = vector.load %arg9[%get3A_143, %get3A_144, %get3A_145, %get3A_146] : memref<4x64x8x1024xf32, #tpu.memory_space<vmem>>, vector<1x1x8x1024xf32>
      %get3A_148 = vector.shape_cast %get3A_147 : vector<1x1x8x1024xf32> to vector<8x1024xf32>
      %min3A_149 = arith.minimumf %scan3A_116, %get3A_148 : vector<8x1024xf32>
      %max3A_150 = arith.maximumf %scan3A_116, %get3A_148 : vector<8x1024xf32>
      %min3A_151 = arith.minimumf %scan3A_117, %max3A_150 : vector<8x1024xf32>
      %max3A_152 = arith.maximumf %scan3A_117, %get3A_148 : vector<8x1024xf32>
      %min3A_153 = arith.minimumf %scan3A_118, %max3A_152 : vector<8x1024xf32>
      %get3A_154 = arith.constant 3 : index
      %get3A_155 = arith.index_cast %scan3A_109 : i32 to index
      %get3A_156 = arith.constant 0 : index
      %get3A_157 = arith.constant 0 : index
      %get3A_158 = vector.load %arg9[%get3A_154, %get3A_155, %get3A_156, %get3A_157] : memref<4x64x8x1024xf32, #tpu.memory_space<vmem>>, vector<1x1x8x1024xf32>
      %get3A_159 = vector.shape_cast %get3A_158 : vector<1x1x8x1024xf32> to vector<8x1024xf32>
      %min3A_160 = arith.minimumf %scan3A_119, %get3A_159 : vector<8x1024xf32>
      %max3A_161 = arith.maximumf %scan3A_119, %get3A_159 : vector<8x1024xf32>
      %min3A_162 = arith.minimumf %scan3A_120, %max3A_161 : vector<8x1024xf32>
      %max3A_163 = arith.maximumf %scan3A_120, %get3A_159 : vector<8x1024xf32>
      %min3A_164 = arith.minimumf %scan3A_121, %max3A_163 : vector<8x1024xf32>
      %scan3A_165 = arith.constant 1 : i32
      %scan3A_166 = arith.addi %scan3A_109, %scan3A_165 : i32
      %get3A_167 = arith.constant 0 : index
      %get3A_168 = arith.index_cast %scan3A_166 : i32 to index
      %get3A_169 = arith.constant 0 : index
      %get3A_170 = arith.constant 0 : index
      %get3A_171 = vector.load %arg9[%get3A_167, %get3A_168, %get3A_169, %get3A_170] : memref<4x64x8x1024xf32, #tpu.memory_space<vmem>>, vector<1x1x8x1024xf32>
      %get3A_172 = vector.shape_cast %get3A_171 : vector<1x1x8x1024xf32> to vector<8x1024xf32>
      %min3A_173 = arith.minimumf %min3A, %get3A_172 : vector<8x1024xf32>
      %max3A_174 = arith.maximumf %min3A, %get3A_172 : vector<8x1024xf32>
      %min3A_175 = arith.minimumf %min3A_129, %max3A_174 : vector<8x1024xf32>
      %max3A_176 = arith.maximumf %min3A_129, %get3A_172 : vector<8x1024xf32>
      %min3A_177 = arith.minimumf %min3A_131, %max3A_176 : vector<8x1024xf32>
      %get3A_178 = arith.constant 1 : index
      %get3A_179 = arith.index_cast %scan3A_166 : i32 to index
      %get3A_180 = arith.constant 0 : index
      %get3A_181 = arith.constant 0 : index
      %get3A_182 = vector.load %arg9[%get3A_178, %get3A_179, %get3A_180, %get3A_181] : memref<4x64x8x1024xf32, #tpu.memory_space<vmem>>, vector<1x1x8x1024xf32>
      %get3A_183 = vector.shape_cast %get3A_182 : vector<1x1x8x1024xf32> to vector<8x1024xf32>
      %min3A_184 = arith.minimumf %min3A_138, %get3A_183 : vector<8x1024xf32>
      %max3A_185 = arith.maximumf %min3A_138, %get3A_183 : vector<8x1024xf32>
      %min3A_186 = arith.minimumf %min3A_140, %max3A_185 : vector<8x1024xf32>
      %max3A_187 = arith.maximumf %min3A_140, %get3A_183 : vector<8x1024xf32>
      %min3A_188 = arith.minimumf %min3A_142, %max3A_187 : vector<8x1024xf32>
      %get3A_189 = arith.constant 2 : index
      %get3A_190 = arith.index_cast %scan3A_166 : i32 to index
      %get3A_191 = arith.constant 0 : index
      %get3A_192 = arith.constant 0 : index
      %get3A_193 = vector.load %arg9[%get3A_189, %get3A_190, %get3A_191, %get3A_192] : memref<4x64x8x1024xf32, #tpu.memory_space<vmem>>, vector<1x1x8x1024xf32>
      %get3A_194 = vector.shape_cast %get3A_193 : vector<1x1x8x1024xf32> to vector<8x1024xf32>
      %min3A_195 = arith.minimumf %min3A_149, %get3A_194 : vector<8x1024xf32>
      %max3A_196 = arith.maximumf %min3A_149, %get3A_194 : vector<8x1024xf32>
      %min3A_197 = arith.minimumf %min3A_151, %max3A_196 : vector<8x1024xf32>
      %max3A_198 = arith.maximumf %min3A_151, %get3A_194 : vector<8x1024xf32>
      %min3A_199 = arith.minimumf %min3A_153, %max3A_198 : vector<8x1024xf32>
      %get3A_200 = arith.constant 3 : index
      %get3A_201 = arith.index_cast %scan3A_166 : i32 to index
      %get3A_202 = arith.constant 0 : index
      %get3A_203 = arith.constant 0 : index
      %get3A_204 = vector.load %arg9[%get3A_200, %get3A_201, %get3A_202, %get3A_203] : memref<4x64x8x1024xf32, #tpu.memory_space<vmem>>, vector<1x1x8x1024xf32>
      %get3A_205 = vector.shape_cast %get3A_204 : vector<1x1x8x1024xf32> to vector<8x1024xf32>
      %min3A_206 = arith.minimumf %min3A_160, %get3A_205 : vector<8x1024xf32>
      %max3A_207 = arith.maximumf %min3A_160, %get3A_205 : vector<8x1024xf32>
      %min3A_208 = arith.minimumf %min3A_162, %max3A_207 : vector<8x1024xf32>
      %max3A_209 = arith.maximumf %min3A_162, %get3A_205 : vector<8x1024xf32>
      %min3A_210 = arith.minimumf %min3A_164, %max3A_209 : vector<8x1024xf32>
      scf.yield %min3A_173, %min3A_175, %min3A_177, %min3A_184, %min3A_186, %min3A_188, %min3A_195, %min3A_197, %min3A_199, %min3A_206, %min3A_208, %min3A_210 : vector<8x1024xf32>, vector<8x1024xf32>, vector<8x1024xf32>, vector<8x1024xf32>, vector<8x1024xf32>, vector<8x1024xf32>, vector<8x1024xf32>, vector<8x1024xf32>, vector<8x1024xf32>, vector<8x1024xf32>, vector<8x1024xf32>, vector<8x1024xf32>
    }
    %scan3A_42 = arith.constant 64 : i32
    %concatenate3A_43 = tpu.concatenate %scan3A_41#0, %scan3A_41#1, %scan3A_41#2, %scan3A_41#3, %scan3A_41#4, %scan3A_41#5, %scan3A_41#6, %scan3A_41#7, %scan3A_41#8, %scan3A_41#9, %scan3A_41#10, %scan3A_41#11 in 0 : vector<8x1024xf32>, vector<8x1024xf32>, vector<8x1024xf32>, vector<8x1024xf32>, vector<8x1024xf32>, vector<8x1024xf32>, vector<8x1024xf32>, vector<8x1024xf32>, vector<8x1024xf32>, vector<8x1024xf32>, vector<8x1024xf32>, vector<8x1024xf32> -> vector<96x1024xf32>
    %reduce_min3A = arith.constant dense<0x7F800000> : vector<1024xf32>
    %reduce_min3A_44 = vector.multi_reduction <minimumf>, %concatenate3A_43, %reduce_min3A [0] : vector<96x1024xf32> to vector<1024xf32>
    %broadcast_in_dim3A_45 = vector.shape_cast %reduce_min3A_44 : vector<1024xf32> to vector<1x1024xf32>
    %gt3A = vector.broadcast %broadcast_in_dim3A_45 : vector<1x1024xf32> to vector<96x1024xf32>
    %gt3A_46 = arith.cmpf ogt, %concatenate3A_43, %gt3A : vector<96x1024xf32>
    %jit3A = arith.constant 0x7F800000 : f32
    %broadcast_in_dim3A_47 = vector.broadcast %jit3A : f32 to vector<96x1024xf32>
    %select_n3A = arith.select %gt3A_46, %concatenate3A_43, %broadcast_in_dim3A_47 : vector<96x1024xi1>, vector<96x1024xf32>
    %reduce_min3A_48 = arith.constant dense<0x7F800000> : vector<1024xf32>
    %reduce_min3A_49 = vector.multi_reduction <minimumf>, %select_n3A, %reduce_min3A_48 [0] : vector<96x1024xf32> to vector<1024xf32>
    %broadcast_in_dim3A_50 = vector.shape_cast %reduce_min3A_49 : vector<1024xf32> to vector<1x1024xf32>
    %gt3A_51 = vector.broadcast %broadcast_in_dim3A_50 : vector<1x1024xf32> to vector<96x1024xf32>
    %gt3A_52 = arith.cmpf ogt, %concatenate3A_43, %gt3A_51 : vector<96x1024xf32>
    %jit3A_53 = arith.constant 0x7F800000 : f32
    %broadcast_in_dim3A_54 = vector.broadcast %jit3A_53 : f32 to vector<96x1024xf32>
    %select_n3A_55 = arith.select %gt3A_52, %concatenate3A_43, %broadcast_in_dim3A_54 : vector<96x1024xi1>, vector<96x1024xf32>
    %reduce_min3A_56 = arith.constant dense<0x7F800000> : vector<1024xf32>
    %reduce_min3A_57 = vector.multi_reduction <minimumf>, %select_n3A_55, %reduce_min3A_56 [0] : vector<96x1024xf32> to vector<1024xf32>
    %broadcast_in_dim3A_58 = vector.shape_cast %reduce_min3A_57 : vector<1024xf32> to vector<1x1024xf32>
    %max3A = arith.constant 9.99999996E-13 : f32
    %max3A_59 = vector.broadcast %max3A : f32 to vector<1x1024xf32>
    %max3A_60 = arith.maximumf %broadcast_in_dim3A_45, %max3A_59 : vector<1x1024xf32>
    %div3A = arith.constant 1.000000e+00 : f32
    %div3A_61 = vector.broadcast %div3A : f32 to vector<1x1024xf32>
    %div3A_62 = arith.divf %div3A_61, %max3A_60 : vector<1x1024xf32>
    %max3A_63 = arith.constant 9.99999996E-13 : f32
    %max3A_64 = vector.broadcast %max3A_63 : f32 to vector<1x1024xf32>
    %max3A_65 = arith.maximumf %broadcast_in_dim3A_50, %max3A_64 : vector<1x1024xf32>
    %div3A_66 = arith.constant 1.000000e+00 : f32
    %div3A_67 = vector.broadcast %div3A_66 : f32 to vector<1x1024xf32>
    %div3A_68 = arith.divf %div3A_67, %max3A_65 : vector<1x1024xf32>
    %max3A_69 = arith.constant 9.99999996E-13 : f32
    %max3A_70 = vector.broadcast %max3A_69 : f32 to vector<1x1024xf32>
    %max3A_71 = arith.maximumf %broadcast_in_dim3A_58, %max3A_70 : vector<1x1024xf32>
    %div3A_72 = arith.constant 1.000000e+00 : f32
    %div3A_73 = vector.broadcast %div3A_72 : f32 to vector<1x1024xf32>
    %div3A_74 = arith.divf %div3A_73, %max3A_71 : vector<1x1024xf32>
    %add3A_75 = arith.addf %div3A_62, %div3A_68 : vector<1x1024xf32>
    %add3A_76 = arith.addf %add3A_75, %div3A_74 : vector<1x1024xf32>
    %div3A_77 = arith.constant 1.000000e+00 : f32
    %div3A_78 = vector.broadcast %div3A_77 : f32 to vector<1x1024xf32>
    %div3A_79 = arith.divf %div3A_78, %add3A_76 : vector<1x1024xf32>
    %bitcast_convert_type3A_80 = tpu.bitcast %broadcast_in_dim3A_45 : vector<1x1024xf32> -> vector<1x1024xi32>
    %and3A_81 = arith.constant 2047 : i32
    %and3A_82 = vector.broadcast %and3A_81 : i32 to vector<1x1024xi32>
    %and3A_83 = arith.andi %bitcast_convert_type3A_80, %and3A_82 : vector<1x1024xi32>
    %bitcast_convert_type3A_84 = tpu.bitcast %broadcast_in_dim3A_50 : vector<1x1024xf32> -> vector<1x1024xi32>
    %and3A_85 = arith.constant 2047 : i32
    %and3A_86 = vector.broadcast %and3A_85 : i32 to vector<1x1024xi32>
    %and3A_87 = arith.andi %bitcast_convert_type3A_84, %and3A_86 : vector<1x1024xi32>
    %bitcast_convert_type3A_88 = tpu.bitcast %broadcast_in_dim3A_58 : vector<1x1024xf32> -> vector<1x1024xi32>
    %and3A_89 = arith.constant 2047 : i32
    %and3A_90 = vector.broadcast %and3A_89 : i32 to vector<1x1024xi32>
    %and3A_91 = arith.andi %bitcast_convert_type3A_88, %and3A_90 : vector<1x1024xi32>
    %concatenate3A_92 = tpu.concatenate %and3A_83, %and3A_87, %and3A_91 in 0 : vector<1x1024xi32>, vector<1x1024xi32>, vector<1x1024xi32> -> vector<3x1024xi32>
    %swap3A_93 = arith.constant 0 : index
    %swap3A_94 = arith.constant 0 : index
    %swap3A_95 = arith.constant 0 : index
    %swap3A_96 = vector.load %arg6[%swap3A_93, %swap3A_94, %swap3A_95] : memref<1x3x1024xi32, #tpu.memory_space<vmem>>, vector<1x3x1024xi32>
    %swap3A_97 = vector.shape_cast %swap3A_96 : vector<1x3x1024xi32> to vector<3x1024xi32>
    %swap3A_98 = vector.shape_cast %concatenate3A_92 : vector<3x1024xi32> to vector<1x3x1024xi32>
    tpu.vector_store %arg6[%swap3A_93, %swap3A_94, %swap3A_95], %swap3A_98 {strides = array<i32>} : memref<1x3x1024xi32, #tpu.memory_space<vmem>>, vector<1x3x1024xi32>,
    %mul3A_99 = arith.mulf %div3A_62, %div3A_79 : vector<1x1024xf32>
    %mul3A_100 = arith.mulf %div3A_68, %div3A_79 : vector<1x1024xf32>
    %mul3A_101 = arith.mulf %div3A_74, %div3A_79 : vector<1x1024xf32>
    %concatenate3A_102 = tpu.concatenate %mul3A_99, %mul3A_100, %mul3A_101 in 0 : vector<1x1024xf32>, vector<1x1024xf32>, vector<1x1024xf32> -> vector<3x1024xf32>
    %swap3A_103 = arith.constant 0 : index
    %swap3A_104 = arith.constant 0 : index
    %swap3A_105 = arith.constant 0 : index
    %swap3A_106 = vector.load %arg7[%swap3A_103, %swap3A_104, %swap3A_105] : memref<1x3x1024xf32, #tpu.memory_space<vmem>>, vector<1x3x1024xf32>
    %swap3A_107 = vector.shape_cast %swap3A_106 : vector<1x3x1024xf32> to vector<3x1024xf32>
    %swap3A_108 = vector.shape_cast %concatenate3A_102 : vector<3x1024xf32> to vector<1x3x1024xf32>
    tpu.vector_store %arg7[%swap3A_103, %swap3A_104, %swap3A_105], %swap3A_108 {strides = array<i32>} : memref<1x3x1024xf32, #tpu.memory_space<vmem>>, vector<1x3x1024xf32>,
    return
  }
  func.func @transform_0(%arg0: i32, %arg1: i32) -> (i32, i32, i32) {
    %c0_i32 = arith.constant 0 : i32
    %c0_i32_0 = arith.constant 0 : i32
    %c0_i32_1 = arith.constant 0 : i32
    return %arg0, %c0_i32, %c0_i32_0 : i32, i32, i32
  }
  func.func @transform_1(%arg0: i32, %arg1: i32) -> (i32, i32, i32) {
    %c0_i32 = arith.constant 0 : i32
    %c0_i32_0 = arith.constant 0 : i32
    %c0_i32_1 = arith.constant 0 : i32
    return %arg0, %c0_i32, %c0_i32_0 : i32, i32, i32
  }
  func.func @transform_2(%arg0: i32, %arg1: i32) -> (i32, i32, i32) {
    %c0_i32 = arith.constant 0 : i32
    %c0_i32_0 = arith.constant 0 : i32
    return %arg0, %c0_i32, %arg1 : i32, i32, i32
  }
  func.func @transform_3(%arg0: i32, %arg1: i32) -> (i32, i32, i32) {
    %c0_i32 = arith.constant 0 : i32
    %c0_i32_0 = arith.constant 0 : i32
    return %arg0, %c0_i32, %arg1 : i32, i32, i32
  }
  func.func @transform_4(%arg0: i32, %arg1: i32) -> (i32, i32, i32) {
    %c0_i32 = arith.constant 0 : i32
    %c0_i32_0 = arith.constant 0 : i32
    return %arg0, %c0_i32, %arg1 : i32, i32, i32
  }
  func.func @transform_5(%arg0: i32, %arg1: i32) -> (i32, i32, i32) {
    %c0_i32 = arith.constant 0 : i32
    %c0_i32_0 = arith.constant 0 : i32
    return %arg0, %c0_i32, %arg1 : i32, i32, i32
  }
}

module attributes {stable_mosaic.version = 14 : i64} {
  func.func @_mlp_body(%arg0: i32, %arg1: i32, %arg2: i32, %arg3: memref<1x3x1024xf32, #tpu.memory_space<vmem>>, %arg4: memref<1x128x1024xbf16, #tpu.memory_space<vmem>>, %arg5: memref<128x3xf32, #tpu.memory_space<vmem>>, %arg6: memref<128x128xbf16, #tpu.memory_space<vmem>>, %arg7: memref<128x1xf32, #tpu.memory_space<vmem>>, %arg8: memref<128x1xf32, #tpu.memory_space<vmem>>, %arg9: memref<128x128xf32, #tpu.memory_space<vmem>>, %arg10: memref<128x1xf32, #tpu.memory_space<vmem>>, %arg11: memref<128x1xf32, #tpu.memory_space<vmem>>, %arg12: memref<3x128xf32, #tpu.memory_space<vmem>>, %arg13: memref<3x1xf32, #tpu.memory_space<vmem>>, %arg14: memref<1x3x1024xf32, #tpu.memory_space<vmem>>, %arg15: memref<128x8192xbf16, #tpu.memory_space<vmem>>, %arg16: memref<128x8192xf32, #tpu.memory_space<vmem>>, %arg17: memref<128x1xf32, #tpu.memory_space<vmem>>, %arg18: memref<128x1xf32, #tpu.memory_space<vmem>>, %arg19: memref<128x1xf32, #tpu.memory_space<vmem>>, %arg20: memref<128x1xf32, #tpu.memory_space<vmem>>) attributes {dimension_semantics = [#tpu.dimension_semantics<arbitrary>, #tpu.dimension_semantics<arbitrary>, #tpu.dimension_semantics<arbitrary>], iteration_bounds = array<i64: 4, 3, 8>, scalar_prefetch = 0 : i64, scratch_operands = 6 : i64, tpu.core_type = #tpu.core_type<tc>, window_params = [{transform_indices = @transform_0, window_bounds = array<i64: 1, 3, 1024>}, {transform_indices = @transform_1, window_bounds = array<i64: 1, 128, 1024>}, {pipeline_mode = #tpu.pipeline_mode<synchronous>, transform_indices = @transform_2, window_bounds = array<i64: 128, 3>}, {pipeline_mode = #tpu.pipeline_mode<synchronous>, transform_indices = @transform_3, window_bounds = array<i64: 128, 128>}, {pipeline_mode = #tpu.pipeline_mode<synchronous>, transform_indices = @transform_4, window_bounds = array<i64: 128, 1>}, {pipeline_mode = #tpu.pipeline_mode<synchronous>, transform_indices = @transform_5, window_bounds = array<i64: 128, 1>}, {pipeline_mode = #tpu.pipeline_mode<synchronous>, transform_indices = @transform_6, window_bounds = array<i64: 128, 128>}, {pipeline_mode = #tpu.pipeline_mode<synchronous>, transform_indices = @transform_7, window_bounds = array<i64: 128, 1>}, {pipeline_mode = #tpu.pipeline_mode<synchronous>, transform_indices = @transform_8, window_bounds = array<i64: 128, 1>}, {pipeline_mode = #tpu.pipeline_mode<synchronous>, transform_indices = @transform_9, window_bounds = array<i64: 3, 128>}, {pipeline_mode = #tpu.pipeline_mode<synchronous>, transform_indices = @transform_10, window_bounds = array<i64: 3, 1>}, {transform_indices = @transform_11, window_bounds = array<i64: 1, 3, 1024>}]} {
    %mul3A = arith.constant 1024 : i32
    %mul3A_0 = arith.muli %arg2, %mul3A : i32
    %eq3A = arith.constant 0 : i32
    %eq3A_1 = arith.cmpi eq, %arg1, %eq3A : i32
    %eq3A_2 = arith.constant 0 : i32
    %eq3A_3 = arith.cmpi eq, %arg2, %eq3A_2 : i32
    %and3A = arith.andi %eq3A_1, %eq3A_3 : i1
    %convert_element_type3A = arith.extui %and3A : i1 to i32
    %cond3A = arith.constant 0 : i32
    %cond3A_4 = arith.cmpi ne, %convert_element_type3A, %cond3A : i32
    scf.if %cond3A_4 {
      %broadcast_in_dim3A = arith.constant 0.000000e+00 : f32
      %broadcast_in_dim3A_20 = vector.broadcast %broadcast_in_dim3A : f32 to vector<128x1xf32>
      %swap3A = arith.constant 0 : index
      %swap3A_21 = arith.constant 0 : index
      %swap3A_22 = vector.load %arg17[%swap3A, %swap3A_21] : memref<128x1xf32, #tpu.memory_space<vmem>>, vector<128x1xf32>
      tpu.vector_store %arg17[%swap3A, %swap3A_21], %broadcast_in_dim3A_20 {strides = array<i32>} : memref<128x1xf32, #tpu.memory_space<vmem>>, vector<128x1xf32>,
      %broadcast_in_dim3A_23 = arith.constant 0.000000e+00 : f32
      %broadcast_in_dim3A_24 = vector.broadcast %broadcast_in_dim3A_23 : f32 to vector<128x1xf32>
      %swap3A_25 = arith.constant 0 : index
      %swap3A_26 = arith.constant 0 : index
      %swap3A_27 = vector.load %arg18[%swap3A_25, %swap3A_26] : memref<128x1xf32, #tpu.memory_space<vmem>>, vector<128x1xf32>
      tpu.vector_store %arg18[%swap3A_25, %swap3A_26], %broadcast_in_dim3A_24 {strides = array<i32>} : memref<128x1xf32, #tpu.memory_space<vmem>>, vector<128x1xf32>,
      %broadcast_in_dim3A_28 = arith.constant 0.000000e+00 : f32
      %broadcast_in_dim3A_29 = vector.broadcast %broadcast_in_dim3A_28 : f32 to vector<128x1xf32>
      %swap3A_30 = arith.constant 0 : index
      %swap3A_31 = arith.constant 0 : index
      %swap3A_32 = vector.load %arg19[%swap3A_30, %swap3A_31] : memref<128x1xf32, #tpu.memory_space<vmem>>, vector<128x1xf32>
      tpu.vector_store %arg19[%swap3A_30, %swap3A_31], %broadcast_in_dim3A_29 {strides = array<i32>} : memref<128x1xf32, #tpu.memory_space<vmem>>, vector<128x1xf32>,
      %broadcast_in_dim3A_33 = arith.constant 0.000000e+00 : f32
      %broadcast_in_dim3A_34 = vector.broadcast %broadcast_in_dim3A_33 : f32 to vector<128x1xf32>
      %swap3A_35 = arith.constant 0 : index
      %swap3A_36 = arith.constant 0 : index
      %swap3A_37 = vector.load %arg20[%swap3A_35, %swap3A_36] : memref<128x1xf32, #tpu.memory_space<vmem>>, vector<128x1xf32>
      tpu.vector_store %arg20[%swap3A_35, %swap3A_36], %broadcast_in_dim3A_34 {strides = array<i32>} : memref<128x1xf32, #tpu.memory_space<vmem>>, vector<128x1xf32>,
    } else {
    }
    %eq3A_5 = arith.constant 0 : i32
    %eq3A_6 = arith.cmpi eq, %arg1, %eq3A_5 : i32
    %convert_element_type3A_7 = arith.extui %eq3A_6 : i1 to i32
    %cond3A_8 = arith.constant 0 : i32
    %cond3A_9 = arith.cmpi ne, %convert_element_type3A_7, %cond3A_8 : i32
    scf.if %cond3A_9 {
      %get3A = arith.constant 0 : index
      %get3A_20 = arith.constant 0 : index
      %get3A_21 = vector.load %arg5[%get3A, %get3A_20] : memref<128x3xf32, #tpu.memory_space<vmem>>, vector<128x3xf32>
      %get3A_22 = arith.constant 0 : index
      %get3A_23 = arith.constant 0 : index
      %get3A_24 = arith.constant 0 : index
      %get3A_25 = vector.load %arg3[%get3A_22, %get3A_23, %get3A_24] : memref<1x3x1024xf32, #tpu.memory_space<vmem>>, vector<1x3x1024xf32>
      %get3A_26 = vector.shape_cast %get3A_25 : vector<1x3x1024xf32> to vector<3x1024xf32>
      %convert_element_type3A_27 = arith.truncf %get3A_21 : vector<128x3xf32> to vector<128x3xbf16>
      %convert_element_type3A_28 = arith.truncf %get3A_26 : vector<3x1024xf32> to vector<3x1024xbf16>
      %dot_general3A = arith.constant dense<0.000000e+00> : vector<128x1024xf32>
      %dot_general3A_29 = tpu.matmul %convert_element_type3A_27, %convert_element_type3A_28, %dot_general3A {dimension_numbers = #tpu.dot_dimension_numbers<[1], [0], [0], [1], [0, 0, 1, 1], [], []>, transpose_lhs_hint = false} : vector<128x3xbf16>, vector<3x1024xbf16>, vector<128x1024xf32> -> vector<128x1024xf32>
      %get3A_30 = arith.constant 0 : index
      %get3A_31 = arith.constant 0 : index
      %get3A_32 = vector.load %arg6[%get3A_30, %get3A_31] : memref<128x128xbf16, #tpu.memory_space<vmem>>, vector<128x128xbf16>
      %get3A_33 = arith.constant 0 : index
      %get3A_34 = arith.constant 0 : index
      %get3A_35 = arith.constant 0 : index
      %get3A_36 = vector.load %arg4[%get3A_33, %get3A_34, %get3A_35] : memref<1x128x1024xbf16, #tpu.memory_space<vmem>>, vector<1x128x1024xbf16>
      %get3A_37 = vector.shape_cast %get3A_36 : vector<1x128x1024xbf16> to vector<128x1024xbf16>
      %dot_general3A_38 = arith.constant dense<0.000000e+00> : vector<128x1024xf32>
      %dot_general3A_39 = tpu.matmul %get3A_32, %get3A_37, %dot_general3A_38 {dimension_numbers = #tpu.dot_dimension_numbers<[1], [0], [0], [1], [0, 0, 1, 1], [], []>, transpose_lhs_hint = false} : vector<128x128xbf16>, vector<128x1024xbf16>, vector<128x1024xf32> -> vector<128x1024xf32>
      %add3A = arith.addf %dot_general3A_29, %dot_general3A_39 : vector<128x1024xf32>
      %convert_element_type3A_40 = arith.truncf %add3A : vector<128x1024xf32> to vector<128x1024xbf16>
      %swap3A = arith.constant 0 : index
      %swap3A_41 = arith.index_cast %mul3A_0 : i32 to index
      %swap3A_42 = vector.load %arg15[%swap3A, %swap3A_41] : memref<128x8192xbf16, #tpu.memory_space<vmem>>, vector<128x1024xbf16>
      tpu.vector_store %arg15[%swap3A, %swap3A_41], %convert_element_type3A_40 {strides = array<i32>} : memref<128x8192xbf16, #tpu.memory_space<vmem>>, vector<128x1024xbf16>,
      %get3A_43 = arith.constant 0 : index
      %get3A_44 = arith.constant 0 : index
      %get3A_45 = vector.load %arg17[%get3A_43, %get3A_44] : memref<128x1xf32, #tpu.memory_space<vmem>>, vector<128x1xf32>
      %reduce_sum3A = arith.constant dense<0.000000e+00> : vector<128xf32>
      %reduce_sum3A_46 = vector.multi_reduction <add>, %add3A, %reduce_sum3A [1] : vector<128x1024xf32> to vector<128xf32>
      %broadcast_in_dim3A = vector.shape_cast %reduce_sum3A_46 : vector<128xf32> to vector<128x1xf32>
      %add3A_47 = arith.addf %get3A_45, %broadcast_in_dim3A : vector<128x1xf32>
      %swap3A_48 = arith.constant 0 : index
      %swap3A_49 = arith.constant 0 : index
      %swap3A_50 = vector.load %arg17[%swap3A_48, %swap3A_49] : memref<128x1xf32, #tpu.memory_space<vmem>>, vector<128x1xf32>
      tpu.vector_store %arg17[%swap3A_48, %swap3A_49], %add3A_47 {strides = array<i32>} : memref<128x1xf32, #tpu.memory_space<vmem>>, vector<128x1xf32>,
      %get3A_51 = arith.constant 0 : index
      %get3A_52 = arith.constant 0 : index
      %get3A_53 = vector.load %arg18[%get3A_51, %get3A_52] : memref<128x1xf32, #tpu.memory_space<vmem>>, vector<128x1xf32>
      %mul3A_54 = arith.mulf %add3A, %add3A : vector<128x1024xf32>
      %reduce_sum3A_55 = arith.constant dense<0.000000e+00> : vector<128xf32>
      %reduce_sum3A_56 = vector.multi_reduction <add>, %mul3A_54, %reduce_sum3A_55 [1] : vector<128x1024xf32> to vector<128xf32>
      %broadcast_in_dim3A_57 = vector.shape_cast %reduce_sum3A_56 : vector<128xf32> to vector<128x1xf32>
      %add3A_58 = arith.addf %get3A_53, %broadcast_in_dim3A_57 : vector<128x1xf32>
      %swap3A_59 = arith.constant 0 : index
      %swap3A_60 = arith.constant 0 : index
      %swap3A_61 = vector.load %arg18[%swap3A_59, %swap3A_60] : memref<128x1xf32, #tpu.memory_space<vmem>>, vector<128x1xf32>
      tpu.vector_store %arg18[%swap3A_59, %swap3A_60], %add3A_58 {strides = array<i32>} : memref<128x1xf32, #tpu.memory_space<vmem>>, vector<128x1xf32>,
    } else {
    }
    %eq3A_10 = arith.constant 1 : i32
    %eq3A_11 = arith.cmpi eq, %arg1, %eq3A_10 : i32
    %convert_element_type3A_12 = arith.extui %eq3A_11 : i1 to i32
    %cond3A_13 = arith.constant 0 : i32
    %cond3A_14 = arith.cmpi ne, %convert_element_type3A_12, %cond3A_13 : i32
    scf.if %cond3A_14 {
      %get3A = arith.constant 0 : index
      %get3A_20 = arith.constant 0 : index
      %get3A_21 = vector.load %arg17[%get3A, %get3A_20] : memref<128x1xf32, #tpu.memory_space<vmem>>, vector<128x1xf32>
      %get3A_22 = arith.constant 0 : index
      %get3A_23 = arith.constant 0 : index
      %get3A_24 = vector.load %arg18[%get3A_22, %get3A_23] : memref<128x1xf32, #tpu.memory_space<vmem>>, vector<128x1xf32>
      %iota3A = tpu.iota {dimensions = array<i32: 0>} : vector<128x128xi32>
      %jit3A = arith.constant 16 : i32
      %div3A = vector.broadcast %jit3A : i32 to vector<128x128xi32>
      %div3A_25 = arith.divsi %iota3A, %div3A : vector<128x128xi32>
      %sign3A = arith.constant 0 : i32
      %sign3A_26 = vector.broadcast %sign3A : i32 to vector<128x128xi32>
      %sign3A_27 = arith.cmpi sgt, %iota3A, %sign3A_26 : vector<128x128xi32>
      %sign3A_28 = arith.extui %sign3A_27 : vector<128x128xi1> to vector<128x128xi32>
      %sign3A_29 = arith.constant 0 : i32
      %sign3A_30 = vector.broadcast %sign3A_29 : i32 to vector<128x128xi32>
      %sign3A_31 = arith.cmpi slt, %iota3A, %sign3A_30 : vector<128x128xi32>
      %sign3A_32 = arith.extui %sign3A_31 : vector<128x128xi1> to vector<128x128xi32>
      %sign3A_33 = arith.subi %sign3A_28, %sign3A_32 : vector<128x128xi32>
      %sign3A_34 = arith.constant 0 : i32
      %sign3A_35 = arith.cmpi sgt, %jit3A, %sign3A_34 : i32
      %sign3A_36 = arith.extui %sign3A_35 : i1 to i32
      %sign3A_37 = arith.constant 0 : i32
      %sign3A_38 = arith.cmpi slt, %jit3A, %sign3A_37 : i32
      %sign3A_39 = arith.extui %sign3A_38 : i1 to i32
      %sign3A_40 = arith.subi %sign3A_36, %sign3A_39 : i32
      %ne3A = vector.broadcast %sign3A_40 : i32 to vector<128x128xi32>
      %ne3A_41 = arith.cmpi ne, %sign3A_33, %ne3A : vector<128x128xi32>
      %rem3A = vector.broadcast %jit3A : i32 to vector<128x128xi32>
      %rem3A_42 = arith.remsi %iota3A, %rem3A : vector<128x128xi32>
      %ne3A_43 = arith.constant 0 : i32
      %ne3A_44 = vector.broadcast %ne3A_43 : i32 to vector<128x128xi32>
      %ne3A_45 = arith.cmpi ne, %rem3A_42, %ne3A_44 : vector<128x128xi32>
      %and3A_46 = arith.andi %ne3A_41, %ne3A_45 : vector<128x128xi1>
      %sub3A = arith.constant 1 : i32
      %sub3A_47 = vector.broadcast %sub3A : i32 to vector<128x128xi32>
      %sub3A_48 = arith.subi %div3A_25, %sub3A_47 : vector<128x128xi32>
      %select_n3A = arith.select %and3A_46, %sub3A_48, %div3A_25 : vector<128x128xi1>, vector<128x128xi32>
      %iota3A_49 = tpu.iota {dimensions = array<i32: 1>} : vector<128x128xi32>
      %jit3A_50 = arith.constant 16 : i32
      %div3A_51 = vector.broadcast %jit3A_50 : i32 to vector<128x128xi32>
      %div3A_52 = arith.divsi %iota3A_49, %div3A_51 : vector<128x128xi32>
      %sign3A_53 = arith.constant 0 : i32
      %sign3A_54 = vector.broadcast %sign3A_53 : i32 to vector<128x128xi32>
      %sign3A_55 = arith.cmpi sgt, %iota3A_49, %sign3A_54 : vector<128x128xi32>
      %sign3A_56 = arith.extui %sign3A_55 : vector<128x128xi1> to vector<128x128xi32>
      %sign3A_57 = arith.constant 0 : i32
      %sign3A_58 = vector.broadcast %sign3A_57 : i32 to vector<128x128xi32>
      %sign3A_59 = arith.cmpi slt, %iota3A_49, %sign3A_58 : vector<128x128xi32>
      %sign3A_60 = arith.extui %sign3A_59 : vector<128x128xi1> to vector<128x128xi32>
      %sign3A_61 = arith.subi %sign3A_56, %sign3A_60 : vector<128x128xi32>
      %sign3A_62 = arith.constant 0 : i32
      %sign3A_63 = arith.cmpi sgt, %jit3A_50, %sign3A_62 : i32
      %sign3A_64 = arith.extui %sign3A_63 : i1 to i32
      %sign3A_65 = arith.constant 0 : i32
      %sign3A_66 = arith.cmpi slt, %jit3A_50, %sign3A_65 : i32
      %sign3A_67 = arith.extui %sign3A_66 : i1 to i32
      %sign3A_68 = arith.subi %sign3A_64, %sign3A_67 : i32
      %ne3A_69 = vector.broadcast %sign3A_68 : i32 to vector<128x128xi32>
      %ne3A_70 = arith.cmpi ne, %sign3A_61, %ne3A_69 : vector<128x128xi32>
      %rem3A_71 = vector.broadcast %jit3A_50 : i32 to vector<128x128xi32>
      %rem3A_72 = arith.remsi %iota3A_49, %rem3A_71 : vector<128x128xi32>
      %ne3A_73 = arith.constant 0 : i32
      %ne3A_74 = vector.broadcast %ne3A_73 : i32 to vector<128x128xi32>
      %ne3A_75 = arith.cmpi ne, %rem3A_72, %ne3A_74 : vector<128x128xi32>
      %and3A_76 = arith.andi %ne3A_70, %ne3A_75 : vector<128x128xi1>
      %sub3A_77 = arith.constant 1 : i32
      %sub3A_78 = vector.broadcast %sub3A_77 : i32 to vector<128x128xi32>
      %sub3A_79 = arith.subi %div3A_52, %sub3A_78 : vector<128x128xi32>
      %select_n3A_80 = arith.select %and3A_76, %sub3A_79, %div3A_52 : vector<128x128xi1>, vector<128x128xi32>
      %eq3A_81 = arith.cmpi eq, %select_n3A, %select_n3A_80 : vector<128x128xi32>
      %convert_element_type3A_82 = arith.extui %eq3A_81 : vector<128x128xi1> to vector<128x128xi32>
      %convert_element_type3A_83 = arith.sitofp %convert_element_type3A_82 : vector<128x128xi32> to vector<128x128xf32>
      %dot_general3A = arith.constant dense<0.000000e+00> : vector<128x1xf32>
      %dot_general3A_84 = tpu.matmul %convert_element_type3A_83, %get3A_21, %dot_general3A {dimension_numbers = #tpu.dot_dimension_numbers<[1], [0], [0], [1], [0, 0, 1, 1], [], []>, transpose_lhs_hint = false} : vector<128x128xf32>, vector<128x1xf32>, vector<128x1xf32> -> vector<128x1xf32>
      %mul3A_85 = arith.constant 7.62939453E-6 : f32
      %mul3A_86 = vector.broadcast %mul3A_85 : f32 to vector<128x1xf32>
      %mul3A_87 = arith.mulf %dot_general3A_84, %mul3A_86 : vector<128x1xf32>
      %dot_general3A_88 = arith.constant dense<0.000000e+00> : vector<128x1xf32>
      %dot_general3A_89 = tpu.matmul %convert_element_type3A_83, %get3A_24, %dot_general3A_88 {dimension_numbers = #tpu.dot_dimension_numbers<[1], [0], [0], [1], [0, 0, 1, 1], [], []>, transpose_lhs_hint = false} : vector<128x128xf32>, vector<128x1xf32>, vector<128x1xf32> -> vector<128x1xf32>
      %mul3A_90 = arith.constant 7.62939453E-6 : f32
      %mul3A_91 = vector.broadcast %mul3A_90 : f32 to vector<128x1xf32>
      %mul3A_92 = arith.mulf %dot_general3A_89, %mul3A_91 : vector<128x1xf32>
      %mul3A_93 = arith.mulf %mul3A_87, %mul3A_87 : vector<128x1xf32>
      %sub3A_94 = arith.subf %mul3A_92, %mul3A_93 : vector<128x1xf32>
      %add3A = arith.constant 9.99999974E-6 : f32
      %add3A_95 = vector.broadcast %add3A : f32 to vector<128x1xf32>
      %add3A_96 = arith.addf %sub3A_94, %add3A_95 : vector<128x1xf32>
      %rsqrt3A = math.rsqrt %add3A_96 : vector<128x1xf32>
      %get3A_97 = arith.constant 0 : index
      %get3A_98 = arith.constant 0 : index
      %get3A_99 = vector.load %arg7[%get3A_97, %get3A_98] : memref<128x1xf32, #tpu.memory_space<vmem>>, vector<128x1xf32>
      %mul3A_100 = arith.mulf %get3A_99, %rsqrt3A : vector<128x1xf32>
      %get3A_101 = arith.constant 0 : index
      %get3A_102 = arith.constant 0 : index
      %get3A_103 = vector.load %arg8[%get3A_101, %get3A_102] : memref<128x1xf32, #tpu.memory_space<vmem>>, vector<128x1xf32>
      %mul3A_104 = arith.mulf %mul3A_87, %mul3A_100 : vector<128x1xf32>
      %sub3A_105 = arith.subf %get3A_103, %mul3A_104 : vector<128x1xf32>
      %get3A_106 = arith.constant 0 : index
      %get3A_107 = arith.index_cast %mul3A_0 : i32 to index
      %get3A_108 = vector.load %arg15[%get3A_106, %get3A_107] : memref<128x8192xbf16, #tpu.memory_space<vmem>>, vector<128x1024xbf16>
      %convert_element_type3A_109 = arith.extf %get3A_108 : vector<128x1024xbf16> to vector<128x1024xf32>
      %mul3A_110 = vector.broadcast %mul3A_100 : vector<128x1xf32> to vector<128x1024xf32>
      %mul3A_111 = arith.mulf %convert_element_type3A_109, %mul3A_110 : vector<128x1024xf32>
      %add3A_112 = vector.broadcast %sub3A_105 : vector<128x1xf32> to vector<128x1024xf32>
      %add3A_113 = arith.addf %mul3A_111, %add3A_112 : vector<128x1024xf32>
      %logistic3A = arith.negf %add3A_113 : vector<128x1024xf32>
      %logistic3A_114 = math.exp %logistic3A : vector<128x1024xf32>
      %logistic3A_115 = arith.constant 1.000000e+00 : f32
      %logistic3A_116 = vector.broadcast %logistic3A_115 : f32 to vector<128x1024xf32>
      %logistic3A_117 = arith.addf %logistic3A_116, %logistic3A_114 : vector<128x1024xf32>
      %logistic3A_118 = arith.divf %logistic3A_116, %logistic3A_117 : vector<128x1024xf32>
      %mul3A_119 = arith.mulf %add3A_113, %logistic3A_118 : vector<128x1024xf32>
      %get3A_120 = arith.constant 0 : index
      %get3A_121 = arith.constant 0 : index
      %get3A_122 = vector.load %arg9[%get3A_120, %get3A_121] : memref<128x128xf32, #tpu.memory_space<vmem>>, vector<128x128xf32>
      %convert_element_type3A_123 = arith.truncf %get3A_122 : vector<128x128xf32> to vector<128x128xbf16>
      %convert_element_type3A_124 = arith.truncf %mul3A_119 : vector<128x1024xf32> to vector<128x1024xbf16>
      %dot_general3A_125 = arith.constant dense<0.000000e+00> : vector<128x1024xf32>
      %dot_general3A_126 = tpu.matmul %convert_element_type3A_123, %convert_element_type3A_124, %dot_general3A_125 {dimension_numbers = #tpu.dot_dimension_numbers<[1], [0], [0], [1], [0, 0, 1, 1], [], []>, transpose_lhs_hint = false} : vector<128x128xbf16>, vector<128x1024xbf16>, vector<128x1024xf32> -> vector<128x1024xf32>
      %swap3A = arith.constant 0 : index
      %swap3A_127 = arith.index_cast %mul3A_0 : i32 to index
      %swap3A_128 = vector.load %arg16[%swap3A, %swap3A_127] : memref<128x8192xf32, #tpu.memory_space<vmem>>, vector<128x1024xf32>
      tpu.vector_store %arg16[%swap3A, %swap3A_127], %dot_general3A_126 {strides = array<i32>} : memref<128x8192xf32, #tpu.memory_space<vmem>>, vector<128x1024xf32>,
      %get3A_129 = arith.constant 0 : index
      %get3A_130 = arith.constant 0 : index
      %get3A_131 = vector.load %arg19[%get3A_129, %get3A_130] : memref<128x1xf32, #tpu.memory_space<vmem>>, vector<128x1xf32>
      %reduce_sum3A = arith.constant dense<0.000000e+00> : vector<128xf32>
      %reduce_sum3A_132 = vector.multi_reduction <add>, %dot_general3A_126, %reduce_sum3A [1] : vector<128x1024xf32> to vector<128xf32>
      %broadcast_in_dim3A = vector.shape_cast %reduce_sum3A_132 : vector<128xf32> to vector<128x1xf32>
      %add3A_133 = arith.addf %get3A_131, %broadcast_in_dim3A : vector<128x1xf32>
      %swap3A_134 = arith.constant 0 : index
      %swap3A_135 = arith.constant 0 : index
      %swap3A_136 = vector.load %arg19[%swap3A_134, %swap3A_135] : memref<128x1xf32, #tpu.memory_space<vmem>>, vector<128x1xf32>
      tpu.vector_store %arg19[%swap3A_134, %swap3A_135], %add3A_133 {strides = array<i32>} : memref<128x1xf32, #tpu.memory_space<vmem>>, vector<128x1xf32>,
      %get3A_137 = arith.constant 0 : index
      %get3A_138 = arith.constant 0 : index
      %get3A_139 = vector.load %arg20[%get3A_137, %get3A_138] : memref<128x1xf32, #tpu.memory_space<vmem>>, vector<128x1xf32>
      %mul3A_140 = arith.mulf %dot_general3A_126, %dot_general3A_126 : vector<128x1024xf32>
      %reduce_sum3A_141 = arith.constant dense<0.000000e+00> : vector<128xf32>
      %reduce_sum3A_142 = vector.multi_reduction <add>, %mul3A_140, %reduce_sum3A_141 [1] : vector<128x1024xf32> to vector<128xf32>
      %broadcast_in_dim3A_143 = vector.shape_cast %reduce_sum3A_142 : vector<128xf32> to vector<128x1xf32>
      %add3A_144 = arith.addf %get3A_139, %broadcast_in_dim3A_143 : vector<128x1xf32>
      %swap3A_145 = arith.constant 0 : index
      %swap3A_146 = arith.constant 0 : index
      %swap3A_147 = vector.load %arg20[%swap3A_145, %swap3A_146] : memref<128x1xf32, #tpu.memory_space<vmem>>, vector<128x1xf32>
      tpu.vector_store %arg20[%swap3A_145, %swap3A_146], %add3A_144 {strides = array<i32>} : memref<128x1xf32, #tpu.memory_space<vmem>>, vector<128x1xf32>,
    } else {
    }
    %eq3A_15 = arith.constant 2 : i32
    %eq3A_16 = arith.cmpi eq, %arg1, %eq3A_15 : i32
    %convert_element_type3A_17 = arith.extui %eq3A_16 : i1 to i32
    %cond3A_18 = arith.constant 0 : i32
    %cond3A_19 = arith.cmpi ne, %convert_element_type3A_17, %cond3A_18 : i32
    scf.if %cond3A_19 {
      %get3A = arith.constant 0 : index
      %get3A_20 = arith.constant 0 : index
      %get3A_21 = vector.load %arg19[%get3A, %get3A_20] : memref<128x1xf32, #tpu.memory_space<vmem>>, vector<128x1xf32>
      %get3A_22 = arith.constant 0 : index
      %get3A_23 = arith.constant 0 : index
      %get3A_24 = vector.load %arg20[%get3A_22, %get3A_23] : memref<128x1xf32, #tpu.memory_space<vmem>>, vector<128x1xf32>
      %iota3A = tpu.iota {dimensions = array<i32: 0>} : vector<128x128xi32>
      %jit3A = arith.constant 16 : i32
      %div3A = vector.broadcast %jit3A : i32 to vector<128x128xi32>
      %div3A_25 = arith.divsi %iota3A, %div3A : vector<128x128xi32>
      %sign3A = arith.constant 0 : i32
      %sign3A_26 = vector.broadcast %sign3A : i32 to vector<128x128xi32>
      %sign3A_27 = arith.cmpi sgt, %iota3A, %sign3A_26 : vector<128x128xi32>
      %sign3A_28 = arith.extui %sign3A_27 : vector<128x128xi1> to vector<128x128xi32>
      %sign3A_29 = arith.constant 0 : i32
      %sign3A_30 = vector.broadcast %sign3A_29 : i32 to vector<128x128xi32>
      %sign3A_31 = arith.cmpi slt, %iota3A, %sign3A_30 : vector<128x128xi32>
      %sign3A_32 = arith.extui %sign3A_31 : vector<128x128xi1> to vector<128x128xi32>
      %sign3A_33 = arith.subi %sign3A_28, %sign3A_32 : vector<128x128xi32>
      %sign3A_34 = arith.constant 0 : i32
      %sign3A_35 = arith.cmpi sgt, %jit3A, %sign3A_34 : i32
      %sign3A_36 = arith.extui %sign3A_35 : i1 to i32
      %sign3A_37 = arith.constant 0 : i32
      %sign3A_38 = arith.cmpi slt, %jit3A, %sign3A_37 : i32
      %sign3A_39 = arith.extui %sign3A_38 : i1 to i32
      %sign3A_40 = arith.subi %sign3A_36, %sign3A_39 : i32
      %ne3A = vector.broadcast %sign3A_40 : i32 to vector<128x128xi32>
      %ne3A_41 = arith.cmpi ne, %sign3A_33, %ne3A : vector<128x128xi32>
      %rem3A = vector.broadcast %jit3A : i32 to vector<128x128xi32>
      %rem3A_42 = arith.remsi %iota3A, %rem3A : vector<128x128xi32>
      %ne3A_43 = arith.constant 0 : i32
      %ne3A_44 = vector.broadcast %ne3A_43 : i32 to vector<128x128xi32>
      %ne3A_45 = arith.cmpi ne, %rem3A_42, %ne3A_44 : vector<128x128xi32>
      %and3A_46 = arith.andi %ne3A_41, %ne3A_45 : vector<128x128xi1>
      %sub3A = arith.constant 1 : i32
      %sub3A_47 = vector.broadcast %sub3A : i32 to vector<128x128xi32>
      %sub3A_48 = arith.subi %div3A_25, %sub3A_47 : vector<128x128xi32>
      %select_n3A = arith.select %and3A_46, %sub3A_48, %div3A_25 : vector<128x128xi1>, vector<128x128xi32>
      %iota3A_49 = tpu.iota {dimensions = array<i32: 1>} : vector<128x128xi32>
      %jit3A_50 = arith.constant 16 : i32
      %div3A_51 = vector.broadcast %jit3A_50 : i32 to vector<128x128xi32>
      %div3A_52 = arith.divsi %iota3A_49, %div3A_51 : vector<128x128xi32>
      %sign3A_53 = arith.constant 0 : i32
      %sign3A_54 = vector.broadcast %sign3A_53 : i32 to vector<128x128xi32>
      %sign3A_55 = arith.cmpi sgt, %iota3A_49, %sign3A_54 : vector<128x128xi32>
      %sign3A_56 = arith.extui %sign3A_55 : vector<128x128xi1> to vector<128x128xi32>
      %sign3A_57 = arith.constant 0 : i32
      %sign3A_58 = vector.broadcast %sign3A_57 : i32 to vector<128x128xi32>
      %sign3A_59 = arith.cmpi slt, %iota3A_49, %sign3A_58 : vector<128x128xi32>
      %sign3A_60 = arith.extui %sign3A_59 : vector<128x128xi1> to vector<128x128xi32>
      %sign3A_61 = arith.subi %sign3A_56, %sign3A_60 : vector<128x128xi32>
      %sign3A_62 = arith.constant 0 : i32
      %sign3A_63 = arith.cmpi sgt, %jit3A_50, %sign3A_62 : i32
      %sign3A_64 = arith.extui %sign3A_63 : i1 to i32
      %sign3A_65 = arith.constant 0 : i32
      %sign3A_66 = arith.cmpi slt, %jit3A_50, %sign3A_65 : i32
      %sign3A_67 = arith.extui %sign3A_66 : i1 to i32
      %sign3A_68 = arith.subi %sign3A_64, %sign3A_67 : i32
      %ne3A_69 = vector.broadcast %sign3A_68 : i32 to vector<128x128xi32>
      %ne3A_70 = arith.cmpi ne, %sign3A_61, %ne3A_69 : vector<128x128xi32>
      %rem3A_71 = vector.broadcast %jit3A_50 : i32 to vector<128x128xi32>
      %rem3A_72 = arith.remsi %iota3A_49, %rem3A_71 : vector<128x128xi32>
      %ne3A_73 = arith.constant 0 : i32
      %ne3A_74 = vector.broadcast %ne3A_73 : i32 to vector<128x128xi32>
      %ne3A_75 = arith.cmpi ne, %rem3A_72, %ne3A_74 : vector<128x128xi32>
      %and3A_76 = arith.andi %ne3A_70, %ne3A_75 : vector<128x128xi1>
      %sub3A_77 = arith.constant 1 : i32
      %sub3A_78 = vector.broadcast %sub3A_77 : i32 to vector<128x128xi32>
      %sub3A_79 = arith.subi %div3A_52, %sub3A_78 : vector<128x128xi32>
      %select_n3A_80 = arith.select %and3A_76, %sub3A_79, %div3A_52 : vector<128x128xi1>, vector<128x128xi32>
      %eq3A_81 = arith.cmpi eq, %select_n3A, %select_n3A_80 : vector<128x128xi32>
      %convert_element_type3A_82 = arith.extui %eq3A_81 : vector<128x128xi1> to vector<128x128xi32>
      %convert_element_type3A_83 = arith.sitofp %convert_element_type3A_82 : vector<128x128xi32> to vector<128x128xf32>
      %dot_general3A = arith.constant dense<0.000000e+00> : vector<128x1xf32>
      %dot_general3A_84 = tpu.matmul %convert_element_type3A_83, %get3A_21, %dot_general3A {dimension_numbers = #tpu.dot_dimension_numbers<[1], [0], [0], [1], [0, 0, 1, 1], [], []>, transpose_lhs_hint = false} : vector<128x128xf32>, vector<128x1xf32>, vector<128x1xf32> -> vector<128x1xf32>
      %mul3A_85 = arith.constant 7.62939453E-6 : f32
      %mul3A_86 = vector.broadcast %mul3A_85 : f32 to vector<128x1xf32>
      %mul3A_87 = arith.mulf %dot_general3A_84, %mul3A_86 : vector<128x1xf32>
      %dot_general3A_88 = arith.constant dense<0.000000e+00> : vector<128x1xf32>
      %dot_general3A_89 = tpu.matmul %convert_element_type3A_83, %get3A_24, %dot_general3A_88 {dimension_numbers = #tpu.dot_dimension_numbers<[1], [0], [0], [1], [0, 0, 1, 1], [], []>, transpose_lhs_hint = false} : vector<128x128xf32>, vector<128x1xf32>, vector<128x1xf32> -> vector<128x1xf32>
      %mul3A_90 = arith.constant 7.62939453E-6 : f32
      %mul3A_91 = vector.broadcast %mul3A_90 : f32 to vector<128x1xf32>
      %mul3A_92 = arith.mulf %dot_general3A_89, %mul3A_91 : vector<128x1xf32>
      %mul3A_93 = arith.mulf %mul3A_87, %mul3A_87 : vector<128x1xf32>
      %sub3A_94 = arith.subf %mul3A_92, %mul3A_93 : vector<128x1xf32>
      %add3A = arith.constant 9.99999974E-6 : f32
      %add3A_95 = vector.broadcast %add3A : f32 to vector<128x1xf32>
      %add3A_96 = arith.addf %sub3A_94, %add3A_95 : vector<128x1xf32>
      %rsqrt3A = math.rsqrt %add3A_96 : vector<128x1xf32>
      %get3A_97 = arith.constant 0 : index
      %get3A_98 = arith.constant 0 : index
      %get3A_99 = vector.load %arg10[%get3A_97, %get3A_98] : memref<128x1xf32, #tpu.memory_space<vmem>>, vector<128x1xf32>
      %mul3A_100 = arith.mulf %get3A_99, %rsqrt3A : vector<128x1xf32>
      %get3A_101 = arith.constant 0 : index
      %get3A_102 = arith.constant 0 : index
      %get3A_103 = vector.load %arg11[%get3A_101, %get3A_102] : memref<128x1xf32, #tpu.memory_space<vmem>>, vector<128x1xf32>
      %mul3A_104 = arith.mulf %mul3A_87, %mul3A_100 : vector<128x1xf32>
      %sub3A_105 = arith.subf %get3A_103, %mul3A_104 : vector<128x1xf32>
      %get3A_106 = arith.constant 0 : index
      %get3A_107 = arith.index_cast %mul3A_0 : i32 to index
      %get3A_108 = vector.load %arg16[%get3A_106, %get3A_107] : memref<128x8192xf32, #tpu.memory_space<vmem>>, vector<128x1024xf32>
      %mul3A_109 = vector.broadcast %mul3A_100 : vector<128x1xf32> to vector<128x1024xf32>
      %mul3A_110 = arith.mulf %get3A_108, %mul3A_109 : vector<128x1024xf32>
      %add3A_111 = vector.broadcast %sub3A_105 : vector<128x1xf32> to vector<128x1024xf32>
      %add3A_112 = arith.addf %mul3A_110, %add3A_111 : vector<128x1024xf32>
      %logistic3A = arith.negf %add3A_112 : vector<128x1024xf32>
      %logistic3A_113 = math.exp %logistic3A : vector<128x1024xf32>
      %logistic3A_114 = arith.constant 1.000000e+00 : f32
      %logistic3A_115 = vector.broadcast %logistic3A_114 : f32 to vector<128x1024xf32>
      %logistic3A_116 = arith.addf %logistic3A_115, %logistic3A_113 : vector<128x1024xf32>
      %logistic3A_117 = arith.divf %logistic3A_115, %logistic3A_116 : vector<128x1024xf32>
      %mul3A_118 = arith.mulf %add3A_112, %logistic3A_117 : vector<128x1024xf32>
      %get3A_119 = arith.constant 0 : index
      %get3A_120 = arith.constant 0 : index
      %get3A_121 = arith.constant 0 : index
      %get3A_122 = vector.load %arg3[%get3A_119, %get3A_120, %get3A_121] : memref<1x3x1024xf32, #tpu.memory_space<vmem>>, vector<1x3x1024xf32>
      %get3A_123 = vector.shape_cast %get3A_122 : vector<1x3x1024xf32> to vector<3x1024xf32>
      %get3A_124 = arith.constant 0 : index
      %get3A_125 = arith.constant 0 : index
      %get3A_126 = vector.load %arg12[%get3A_124, %get3A_125] : memref<3x128xf32, #tpu.memory_space<vmem>>, vector<3x128xf32>
      %convert_element_type3A_127 = arith.truncf %get3A_126 : vector<3x128xf32> to vector<3x128xbf16>
      %convert_element_type3A_128 = arith.truncf %mul3A_118 : vector<128x1024xf32> to vector<128x1024xbf16>
      %dot_general3A_129 = arith.constant dense<0.000000e+00> : vector<3x1024xf32>
      %dot_general3A_130 = tpu.matmul %convert_element_type3A_127, %convert_element_type3A_128, %dot_general3A_129 {dimension_numbers = #tpu.dot_dimension_numbers<[1], [0], [0], [1], [0, 0, 1, 1], [], []>, transpose_lhs_hint = false} : vector<3x128xbf16>, vector<128x1024xbf16>, vector<3x1024xf32> -> vector<3x1024xf32>
      %add3A_131 = arith.addf %get3A_123, %dot_general3A_130 : vector<3x1024xf32>
      %get3A_132 = arith.constant 0 : index
      %get3A_133 = arith.constant 0 : index
      %get3A_134 = vector.load %arg13[%get3A_132, %get3A_133] : memref<3x1xf32, #tpu.memory_space<vmem>>, vector<3x1xf32>
      %add3A_135 = vector.broadcast %get3A_134 : vector<3x1xf32> to vector<3x1024xf32>
      %add3A_136 = arith.addf %add3A_131, %add3A_135 : vector<3x1024xf32>
      %swap3A = arith.constant 0 : index
      %swap3A_137 = arith.constant 0 : index
      %swap3A_138 = arith.constant 0 : index
      %swap3A_139 = vector.load %arg14[%swap3A, %swap3A_137, %swap3A_138] : memref<1x3x1024xf32, #tpu.memory_space<vmem>>, vector<1x3x1024xf32>
      %swap3A_140 = vector.shape_cast %swap3A_139 : vector<1x3x1024xf32> to vector<3x1024xf32>
      %swap3A_141 = vector.shape_cast %add3A_136 : vector<3x1024xf32> to vector<1x3x1024xf32>
      tpu.vector_store %arg14[%swap3A, %swap3A_137, %swap3A_138], %swap3A_141 {strides = array<i32>} : memref<1x3x1024xf32, #tpu.memory_space<vmem>>, vector<1x3x1024xf32>,
    } else {
    }
    return
  }
  func.func @transform_0(%arg0: i32, %arg1: i32, %arg2: i32) -> (i32, i32, i32) {
    %eq3A = arith.constant 1 : i32
    %eq3A_0 = arith.cmpi eq, %arg1, %eq3A : i32
    %jit3A = arith.constant 0 : i32
    %select_n3A = arith.select %eq3A_0, %jit3A, %arg2 : i32
    %c0_i32 = arith.constant 0 : i32
    %c0_i32_1 = arith.constant 0 : i32
    return %arg0, %c0_i32, %select_n3A : i32, i32, i32
  }
  func.func @transform_1(%arg0: i32, %arg1: i32, %arg2: i32) -> (i32, i32, i32) {
    %eq3A = arith.constant 0 : i32
    %eq3A_0 = arith.cmpi eq, %arg1, %eq3A : i32
    %jit3A = arith.constant 0 : i32
    %select_n3A = arith.select %eq3A_0, %arg2, %jit3A : i32
    %c0_i32 = arith.constant 0 : i32
    %c0_i32_1 = arith.constant 0 : i32
    return %arg0, %c0_i32, %select_n3A : i32, i32, i32
  }
  func.func @transform_2(%arg0: i32, %arg1: i32, %arg2: i32) -> (i32, i32) {
    %c0_i32 = arith.constant 0 : i32
    %c0_i32_0 = arith.constant 0 : i32
    %c0_i32_1 = arith.constant 0 : i32
    return %c0_i32, %c0_i32_0 : i32, i32
  }
  func.func @transform_3(%arg0: i32, %arg1: i32, %arg2: i32) -> (i32, i32) {
    %c0_i32 = arith.constant 0 : i32
    %c0_i32_0 = arith.constant 0 : i32
    %c0_i32_1 = arith.constant 0 : i32
    return %c0_i32, %c0_i32_0 : i32, i32
  }
  func.func @transform_4(%arg0: i32, %arg1: i32, %arg2: i32) -> (i32, i32) {
    %c0_i32 = arith.constant 0 : i32
    %c0_i32_0 = arith.constant 0 : i32
    %c0_i32_1 = arith.constant 0 : i32
    return %c0_i32, %c0_i32_0 : i32, i32
  }
  func.func @transform_5(%arg0: i32, %arg1: i32, %arg2: i32) -> (i32, i32) {
    %c0_i32 = arith.constant 0 : i32
    %c0_i32_0 = arith.constant 0 : i32
    %c0_i32_1 = arith.constant 0 : i32
    return %c0_i32, %c0_i32_0 : i32, i32
  }
  func.func @transform_6(%arg0: i32, %arg1: i32, %arg2: i32) -> (i32, i32) {
    %c0_i32 = arith.constant 0 : i32
    %c0_i32_0 = arith.constant 0 : i32
    %c0_i32_1 = arith.constant 0 : i32
    return %c0_i32, %c0_i32_0 : i32, i32
  }
  func.func @transform_7(%arg0: i32, %arg1: i32, %arg2: i32) -> (i32, i32) {
    %c0_i32 = arith.constant 0 : i32
    %c0_i32_0 = arith.constant 0 : i32
    %c0_i32_1 = arith.constant 0 : i32
    return %c0_i32, %c0_i32_0 : i32, i32
  }
  func.func @transform_8(%arg0: i32, %arg1: i32, %arg2: i32) -> (i32, i32) {
    %c0_i32 = arith.constant 0 : i32
    %c0_i32_0 = arith.constant 0 : i32
    %c0_i32_1 = arith.constant 0 : i32
    return %c0_i32, %c0_i32_0 : i32, i32
  }
  func.func @transform_9(%arg0: i32, %arg1: i32, %arg2: i32) -> (i32, i32) {
    %c0_i32 = arith.constant 0 : i32
    %c0_i32_0 = arith.constant 0 : i32
    %c0_i32_1 = arith.constant 0 : i32
    return %c0_i32, %c0_i32_0 : i32, i32
  }
  func.func @transform_10(%arg0: i32, %arg1: i32, %arg2: i32) -> (i32, i32) {
    %c0_i32 = arith.constant 0 : i32
    %c0_i32_0 = arith.constant 0 : i32
    %c0_i32_1 = arith.constant 0 : i32
    return %c0_i32, %c0_i32_0 : i32, i32
  }
  func.func @transform_11(%arg0: i32, %arg1: i32, %arg2: i32) -> (i32, i32, i32) {
    %eq3A = arith.constant 2 : i32
    %eq3A_0 = arith.cmpi eq, %arg1, %eq3A : i32
    %jit3A = arith.constant 0 : i32
    %select_n3A = arith.select %eq3A_0, %arg2, %jit3A : i32
    %c0_i32 = arith.constant 0 : i32
    %c0_i32_1 = arith.constant 0 : i32
    return %arg0, %c0_i32, %select_n3A : i32, i32, i32
  }
}

</mosaic_0001>

<sc_bundles>
// kernel: kernel.5.cloned.1.call-start
scs
__scs_entry_jumppad:
0x0: {  	(pc) =	sbr.rel $0x88, $3  }
0x1: {  	(tag) =	ssettag $0x0;
	lr =	simm.s32 $0x1  }
0x2: {  	[smem:$0x3F95] =	sst lr;
	_ =	strace $0xD0000000  }
0x3: {  	_ = 	snop  }
0x4: {  	_ = 	snop  }
0x5: {  	_ = 	snop  }
0x6: {  	_ = 	snop  }
0x7: {  	_ = 	snop  }
__scs_overlays_trampoline_lowered:
0x8: {  	[smem:$0x3FA4] =	sst s0  }
0x9: {  	[smem:$0x3FA5] =	sst s1  }
0xa: {  	[smem:$0x3FA6] =	sst s2  }
0xb: {  	[smem:$0x3FA7] =	sst s3  }
0xc: {  	[smem:$0x3FA8] =	sst s4  }
0xd: {  	[smem:$0x3FA9] =	sst s5  }
0xe: {  	[smem:$0x3FAA] =	sst s6  }
0xf: {  	[smem:$0x3FAB] =	sst s7  }
0x10: {  	[smem:$0x3FAC] =	sst s8  }
0x11: {  	[smem:$0x3FAD] =	sst s9;
	s0 =	simm.s32 @!p0 $0x0  }
0x12: {  	s1 =	sld [smem:$0x3F93];
	s0 =	simm.s32 @p0 $0x1  }
0x13: {  	[smem:$0x3FAE] =	sst s0;
	s0 =	simm.s32 @!p1 $0x0  }
0x14: {  	s2 =	sld [smem:$0x3F92];
	s0 =	simm.s32 @p1 $0x1  }
0x15: {  	[smem:$0x3FAF] =	sst s0;
	s0 =	simm.s32 @!p2 $0x0  }
0x16: {  	s3 =	sld [smem:$0x3FDB];
	s0 =	simm.s32 @p2 $0x1  }
0x17: {  	s4 =	simm.s32 $0x1BF5;
	[smem:$0x3FB1] =	sst s0  }
0x18: {  	s0 =	sld [smem:$0x3F94];
	_ =	swait.ge [sflag:s4], $0x0  }
0x19: {  	s7 =	sld [smem:$0x3F95]  }
0x1a: {  	s8 =	sadd.s32 $0xFFFFE003, lr  }
0x1b: {  	s9 =	sadd.s32 $0xFFFFFEF7, lr;
	s5 =	simm.s32 $0xFFFFFFFF;
	p2 =	slt.u32 s8, $0xFFFFF086  }
0x1c: {  	p1 =	slt.u32 s9, $0xF7A;
	s5 =	simm.s32 @!p2 $0x0  }
0x1d: {  	s5 =	simm.s32 @p1 $0x1;
	p0 =	seq.s32 s7, s2  }
0x1e: {  	s7 =	smul.u32 @!p0 $0xF7A, s2;
	p2 =	seq.s32 @!p0 s5, $0x0  }
0x1f: {  	s9 =	smul.u32 $0xF7A, s1;
	s8 =	simm.s32 @!p0 $0x1BF5;
	p2 =	por !p2, p0  }
0x20: {  	[sflag:s8] =	ssyncset.s32 @!p0 $0xFFFFF086;
	s6 =	sadd.s32 @!p0 s3, s7;
	s7 =	simm.s32 @!p0 $0x108  }
0x21: {  	s3 =	sadd.s32 s3, s9;
	s6 =	sadd.s32 @!p0 $0x88, s6;
	s7 =	simm.s32 @p2 $0x1082  }
0x22: {  	[simem:s7], [sflag:s8] =	dma.local @!p0 [hbm:s6], $0xF7A  }
0x23: {  	s9 =	sor.u32 $0xD0000000, s2;
	s6 =	simm.s32 $0x108;
	_ =	swait.ge @!p0 [sflag:s8], $0x0  }
0x24: {  	s3 =	sadd.s32 $0x88, s3;
	s6 =	simm.s32 @!p1 $0x1082;
	[sflag:s4] =	ssyncset.s32 $0xFFFFF086  }
0x25: {  	[simem:s6], [sflag:s4] =	dma.local [hbm:s3], $0xF7A  }
0x26: {  	[smem:$0x3F95] =	sst s1;
	(tag) =	ssettag s2;
	_ =	strace s9  }
0x27: {  	s1 =	sld [smem:$0x3FA5]  }
0x28: {  	s2 =	sld [smem:$0x3FA6]  }
0x29: {  	s4 =	sld [smem:$0x3FA8]  }
0x2a: {  	p0 =	seq.s32 s5, $0x0;
	s5 =	sld [smem:$0x3FA9]  }
0x2b: {  	s6 =	sld [smem:$0x3FAA]  }
0x2c: {  	s7 =	sld [smem:$0x3FAB]  }
0x2d: {  	s3 =	simm.s32 $0x108;
	s8 =	sld [smem:$0x3FAC]  }
0x2e: {  	s3 =	simm.s32 @!p0 $0x1082;
	s9 =	sld [smem:$0x3FAD]  }
0x2f: {  	lr =	sadd.s32 s0, s3;
	s0 =	sld [smem:$0x3FA4]  }
0x30: {  	s3 =	sld [smem:$0x3FA7]  }
0x31: {  	[smem:$0x3FB0] =	sst s10  }
0x32: {  	s10 =	sld [smem:$0x3FAE];
	_ =	sdelay $0x3  }
0x33: {  	p0 =	seq.s32 s10, $0x1;
	s10 =	sld [smem:$0x3FB0];
	_ =	sdelay $0x3  }
0x34: {  	[smem:$0x3FB0] =	sst s10  }
0x35: {  	s10 =	sld [smem:$0x3FAF];
	_ =	sdelay $0x3  }
0x36: {  	p1 =	seq.s32 s10, $0x1;
	s10 =	sld [smem:$0x3FB0];
	_ =	sdelay $0x3  }
0x37: {  	[smem:$0x3FB0] =	sst s10  }
0x38: {  	s10 =	sld [smem:$0x3FB1]  }
0x39: {  	_ = 	snop;
	(pc) =	sbr.ind lr, $3  }
0x3a: {  	_ = 	snop  }
0x3b: {  	_ = 	snop  }
0x3c: {  	p2 =	seq.s32 s10, $0x1;
	s10 =	sld [smem:$0x3FB0]  }
0x3d: {  	_ =	shalt  }
0x3e: {  	_ =	shalt  }
0x3f: {  	_ =	shalt  }
0x40: {  	_ =	shalt  }
0x41: {  	_ =	shalt  }
0x42: {  	_ =	shalt  }
0x43: {  	_ =	shalt  }
0x44: {  	_ =	shalt  }
0x45: {  	_ =	shalt  }
0x46: {  	_ =	shalt  }
0x47: {  	_ =	shalt  }
0x48: {  	_ =	shalt  }
0x49: {  	_ =	shalt  }
0x4a: {  	_ =	shalt  }
0x4b: {  	_ =	shalt  }
0x4c: {  	_ =	shalt  }
0x4d: {  	_ =	shalt  }
0x4e: {  	_ =	shalt  }
0x4f: {  	_ =	shalt  }
0x50: {  	_ =	shalt  }
0x51: {  	_ =	shalt  }
0x52: {  	_ =	shalt  }
0x53: {  	_ =	shalt  }
0x54: {  	_ =	shalt  }
0x55: {  	_ =	shalt  }
0x56: {  	_ =	shalt  }
0x57: {  	_ =	shalt  }
0x58: {  	_ =	shalt  }
0x59: {  	_ =	shalt  }
0x5a: {  	_ =	shalt  }
0x5b: {  	_ =	shalt  }
0x5c: {  	_ =	shalt  }
0x5d: {  	_ =	shalt  }
0x5e: {  	_ =	shalt  }
0x5f: {  	_ =	shalt  }
0x60: {  	_ =	shalt  }
0x61: {  	_ =	shalt  }
0x62: {  	_ =	shalt  }
0x63: {  	_ =	shalt  }
0x64: {  	_ =	shalt  }
0x65: {  	_ =	shalt  }
0x66: {  	_ =	shalt  }
0x67: {  	_ =	shalt  }
0x68: {  	_ =	shalt  }
0x69: {  	_ =	shalt  }
0x6a: {  	_ =	shalt  }
0x6b: {  	_ =	shalt  }
0x6c: {  	_ =	shalt  }
0x6d: {  	_ =	shalt  }
0x6e: {  	_ =	shalt  }
0x6f: {  	_ =	shalt  }
0x70: {  	_ =	shalt  }
0x71: {  	_ =	shalt  }
0x72: {  	_ =	shalt  }
0x73: {  	_ =	shalt  }
0x74: {  	_ =	shalt  }
0x75: {  	_ =	shalt  }
0x76: {  	_ =	shalt  }
0x77: {  	_ =	shalt  }
0x78: {  	_ =	shalt  }
0x79: {  	_ =	shalt  }
0x7a: {  	_ =	shalt  }
0x7b: {  	_ =	shalt  }
0x7c: {  	_ =	shalt  }
0x7d: {  	_ =	shalt  }
0x7e: {  	_ =	shalt  }
0x7f: {  	_ =	shalt  }
0x80: {  	_ =	shalt  }
0x81: {  	_ =	shalt  }
0x82: {  	_ =	shalt  }
0x83: {  	_ =	shalt  }
0x84: {  	_ =	shalt  }
0x85: {  	_ =	shalt  }
0x86: {  	_ =	shalt  }
0x87: {  	_ =	shalt  }
.Lfunc_end0:
.L_simem_size_0:
called_computation_lowered:
.L_overlay_start_0:
0x88: {  	s2 =	sld [smem:$0x3FD9]  }
0x89: {  	s3 =	sld [smem:$0x3FFE];
	_ =	sdelay $0x1  }
0x8a: {  	s1 =	srdreg.scid  }
0x8b: {  	s0 =	sand.u32 $0x1, s1  }
0x8c: {  	s17 =	sshll.u32 s0, $0xA;
	s2 =	sadd.s32 s3, s2  }
0x8d: {  	s2 =	sadd.s32 s2, s17  }
0x8e: {  	[smem:$0x3FBC] =	sst s2  }
0x8f: {  	_ = 	snop  }
0x90: {  	s2 =	sld [smem:$0x3FC7];
	(tm) =	ssettm $0x1  }
0x91: {  	s18 =	sld [smem:$0x3FFB];
	_ =	sdelay $0x3  }
0x92: {  	_ =	strace s18  }
0x93: {  	s3 =	sld [smem:$0x3FFC];
	_ =	sdelay $0x3  }
0x94: {  	_ =	strace s3  }
0x95: {  	s3 =	sld [smem:$0x3FFD];
	_ =	sdelay $0x3  }
0x96: {  	_ =	strace s3  }
0x97: {  	_ =	strace $0x8FFFFFFF  }
0x98: {  	s19 =	sld [smem:$0x3FDB];
	_ =	sdelay $0x1  }
0x99: {  	s4 =	simm.s32 $_scs_section_size  }
0x9a: {  	s5 =	simm.s32 $_size__tile_overlayer_lowered;
	s6 =	simm.s32 $_tile_overlayer_lowered  }
0x9b: {  	s22 =	simm.s32 $0x1BFF;
	s21 =	sshll.u32 s6, $0x1;
	s3 =	sadd.s32 s4, s19  }
0x9c: {  	s7 =	simm.s32 $0x0;
	s20 =	sshll.u32 s5, $0x1;
	s5 =	sadd.s32 s21, s3  }
0x9d: {  	[timem:s7], [sflag:s22] =	dma.local [hbm:s5], s20  }
0x9e: {  	_ =	swait.ge [sflag:s22], s20  }
0x9f: {  	s4 =	ssub.s32 $0x0, s20;
	[sflag:s22] =	ssyncset.done $0x0  }
0xa0: {  	[sflag:s22] =	ssyncadd.s32 s4;
	_ =	sdelay $0x1  }
0xa1: {  	s23 =	simm.s32 $0x1B8B  }
0xa2: {  	_ =	swait.ge [sflag:s23], $0x1  }
0xa3: {  	[sflag:s23] =	ssyncset.done $0x0  }
0xa4: {  	s25 =	simm.s32 $0x1B8E;
	s24 =	sld [smem:$0x3FFE];
	[sflag:s23] =	ssyncadd.s32 $0xFFFFFFFF  }
0xa5: {  	s26 =	simm.s32 $execute0_lowered;
	[smem:$0x3FD2] =	sst s25  }
0xa6: {  	s5 =	sshll.u32 s26, $0x1;
	_ =	strace $0x80000046;
	[dreg:$0x1] =	wrdreg $0xFFFFFFFF  }
0xa7: {  	s28 =	simm.s32 $_size_execute0_lowered;
	s3 =	sadd.s32 s3, s5;
	[dreg:$0x0] =	wrdreg $0x0  }
0xa8: {  	s5 =	sshll.u32 s28, $0x1;
	[dreg:$0x2] =	wrdreg s3  }
0xa9: {  	[dreg:$0x3] =	wrdreg s5  }
0xaa: {  	[dreg:$0x4] =	wrdreg $0xC0  }
0xab: {  	_ =	task [dreg:s7], $0x5FFFF  }
0xac: {  	[dreg:$0x1] =	wrdreg $0xFFFFFFFF  }
0xad: {  	[dreg:$0x0] =	wrdreg $0x60  }
0xae: {  	[dreg:$0x2] =	wrdreg s24  }
0xaf: {  	[dreg:$0x3] =	wrdreg s2  }
0xb0: {  	[dreg:$0x4] =	wrdreg $0x9  }
0xb1: {  	_ =	task.clear_ibuf [dreg:s7], $0x5FFFF;
	_ =	strace $0x90000046  }
0xb2: {  	s29 =	simm.s32 $0x9;
	_ =	strace $0x80000048  }
0xb3: {  	_ =	swait.ge [sflag:s29], $0x1  }
0xb4: {  	[sflag:s29] =	ssyncadd.s32 $0xFFFFFFFF  }
0xb5: {  	_ =	strace $0x90000048  }
0xb6: {  	_ =	sfence  }
0xb7: {  	s30 =	sld [smem:$0x0];
	_ =	sdelay $0x2  }
0xb8: {  	s31 =	sshll.u32 s1, $0xD;
	s1 =	sshrl.u32 s1, $0x2  }
0xb9: {  	s3 =	sand.u32 $0x4000, s31;
	s1 =	sadd.s32 s1, s30  }
0xba: {  	s0 =	sor.u32 s3, s0;
	s1 =	sshll.u32 s1, $0x11  }
0xbb: {  	s0 =	sor.u32 s1, s0  }
0xbc: {  	s0 =	sadd.s32 $0x8F2B, s0  }
0xbd: {  	[sflag:s0] =	ssyncadd.remote.s32 $0x1  }
0xbe: {  	_ =	sfence.sel $0xFFFF  }
0xbf: {  	[dreg:$0x0] =	wrdreg $0xFFFFFFFF;
	(pc) =	sbr.abs _section_cstart, $3  }
0xc0: {  	[dreg:$0x1] =	wrdreg $0xFFFFFFFF  }
0xc1: {  	_ =	task.clear_ibuf [dreg:s7], $0x2FFFF;
	_ =	strace $0x9FFFFFFF  }
0xc2: {  	(tm) =	ssettm $0x7FFFFFFF  }
0xc3: {  	_ =	shalt  }
tec
execute0_lowered:
.L_overlay_start_1:
0x0: {  	(tag) =	ssettag $0x1  }
0x1: {  	s3 =	rddreg [dreg:$0x0]  }
0x2: {  	s4 =	rddreg [dreg:$0x1];
	s1 =	stileid.u32  }
0x3: {  	s0 =	rddreg [dreg:$0x2];
	s5 =	srdreg.scid;
	s2 =	simm.s32 $0x0  }
0x4: {  	s9 =	simm.s32 $0x200;
	s10 =	simm.s32 $0x2000;
	s11 =	simm.s32 $0x1  }
0x5: {  	s12 =	simm.s32 $0x1000;
	s13 =	simm.s32 $0x3800;
	s6 =	sshll.u32 s1, $0x1  }
0x6: {  	s14 =	simm.s32 $0x0;
	s5 =	sand.u32 $0x1, s5;
	s6 =	sand.u32 $0x6, s6  }
0x7: {  	[smem:$0x7FF] =	sst s2;
	s7 =	sshrl.u32 s1, $0x2;
	s6 =	sor.u32 s5, s6  }
0x8: {  	s8 =	sshll.u32 s7, $0xC;
	s5 =	ssub.s32 $0x2, s5;
	s6 =	sshll.u32 s6, $0x9  }
0x9: {  	_ =	strace $0x80000047;
	s30 =	sshrl.u32 s5, $0x1;
	s6 =	sor.u32 s8, s6  }
0xa: {  	s31 =	sshll.u32 s7, $0x4;
	s8 =	ssub.s32 s5, s30;
	s6 =	sadd.s32 s6, s3  }
0xb: {  	s3 =	sadd.s32 s4, s31;
	s7 =	smax.u32 s8, $0x1;
	s8 =	simm.s32 $0x80  }
0xc: {  	s4 =	sadd.s32 $0x2200, s6;
	s5 =	sadd.s32 $0x6200, s6;
	s6 =	sadd.s32 $0xA200, s6  }
.LBB2_1:
0xd: {  	[tilespmem:s10], [sflag:$0x1] =	stream.strided.gather [hbm4b:s3+s8], $0x1800, s9, s8, $0x38;
	[tilespmem:$0x4800] =	vst v63  }
0xe: {  	_ =	swait.ge [sflag:s11], $0x1800  }
0xf: {  	[sflag:s11] =	ssyncset.done $0x0  }
0x10: {  	[sflag:s11] =	ssyncadd.s32 $0xFFFFE800  }
0x11: {  	[tilespmem:s2], [sflag:$0x1] =	stream.linear.gather [hbm4b:s4+s2], $0x1000, $0x38;
	[tilespmem:$0x4800] =	vst v63  }
0x12: {  	_ =	swait.ge [sflag:s11], $0x1000  }
0x13: {  	[sflag:s11] =	ssyncset.done $0x0  }
0x14: {  	[sflag:s11] =	ssyncadd.s32 $0xFFFFF000  }
0x15: {  	[tilespmem:s12], [sflag:$0x1] =	stream.linear.gather [hbm4b:s5+s2], $0x1000, $0x38;
	[tilespmem:$0x4800] =	vst v63  }
0x16: {  	_ =	swait.ge [sflag:s11], $0x1000  }
0x17: {  	s15 =	sand.u32 $0x70, s2;
	s16 =	sand.u32 $0xE00, s2;
	[sflag:s11] =	ssyncset.done $0x0  }
0x18: {  	s15 =	sor.u32 s15, s16;
	[sflag:s11] =	ssyncadd.s32 $0xFFFFF000  }
0x19: {  	v0 =	vld [tilespmem:s15+$0x0];
	_ =	sdelay $0x1  }
0x1a: {  	v1 =	vld [tilespmem:s15+$0x80];
	_ =	sdelay $0x1  }
0x1b: {  	v2 =	vld [tilespmem:s15+$0x100];
	_ =	sdelay $0x1  }
0x1c: {  	v3 =	vld [tilespmem:s15+$0x1000]  }
0x1d: {  	v4 =	vld [tilespmem:s15+$0x1080]  }
0x1e: {  	v0 =	vld.idx.msk [tilespmem:v0+s10+$0x0], $0xffff  }
0x1f: {  	v5 =	vld [tilespmem:s15+$0x1100]  }
0x20: {  	v1 =	vld.idx.msk [tilespmem:v1+s10+$0x0], $0xffff  }
0x21: {  	v6 =	vld [tilespmem:s15+$0x0]  }
0x22: {  	v2 =	vld.idx.msk [tilespmem:v2+s10+$0x0], $0xffff  }
0x23: {  	v0 =	vmul.f32 v3, v0  }
0x24: {  	v3 =	vld [tilespmem:s15+$0x80]  }
0x25: {  	v1 =	vmul.f32 v4, v1;
	v0 =	vadd.f32 $0.0e+00, v0  }
0x26: {  	v4 =	vld [tilespmem:s15+$0x100]  }
0x27: {  	v0 =	vadd.f32 v1, v0;
	v1 =	vmul.f32 v5, v2;
	v2 =	vadd.s32 $0x800, v6;
	_ =	sdelay $0x1  }
0x28: {  	v0 =	vadd.f32 v1, v0;
	v1 =	vadd.s32 $0x800, v3  }
0x29: {  	v5 =	vld [tilespmem:s15+$0x1100]  }
0x2a: {  	v3 =	vld [tilespmem:s15+$0x1000];
	[tilespmem:s15+$0x3800] =	vst v0;
	v0 =	vadd.s32 $0x800, v4  }
0x2b: {  	v2 =	vld.idx.msk [tilespmem:v2+s10+$0x0], $0xffff  }
0x2c: {  	v4 =	vld [tilespmem:s15+$0x1080]  }
0x2d: {  	v1 =	vld.idx.msk [tilespmem:v1+s10+$0x0], $0xffff  }
0x2e: {  	v6 =	vld [tilespmem:s15+$0x0]  }
0x2f: {  	v0 =	vld.idx.msk [tilespmem:v0+s10+$0x0], $0xffff  }
0x30: {  	v2 =	vmul.f32 v3, v2  }
0x31: {  	v3 =	vld [tilespmem:s15+$0x80]  }
0x32: {  	v7 =	vld [tilespmem:s15+$0x100];
	v2 =	vadd.f32 $0.0e+00, v2;
	v1 =	vmul.f32 v4, v1;
	_ =	sdelay $0x1  }
0x33: {  	v4 =	vadd.s32 $0x1000, v6;
	v1 =	vadd.f32 v1, v2;
	v0 =	vmul.f32 v5, v0;
	_ =	sdelay $0x1  }
0x34: {  	v5 =	vadd.s32 $0x1000, v3;
	v0 =	vadd.f32 v0, v1  }
0x35: {  	v6 =	vadd.s32 $0x1000, v7  }
0x36: {  	v2 =	vld [tilespmem:s15+$0x1000];
	[tilespmem:s15+$0x3880] =	vst v0  }
0x37: {  	v3 =	vld.idx.msk [tilespmem:v4+s10+$0x0], $0xffff  }
0x38: {  	v4 =	vld [tilespmem:s15+$0x1080]  }
0x39: {  	v1 =	vld.idx.msk [tilespmem:v5+s10+$0x0], $0xffff  }
0x3a: {  	s17 =	simm.s32 $0x10;
	s16 =	simm.s32 $0x40;
	v0 =	vld.idx.msk [tilespmem:v6+s10+$0x0], $0xffff  }
0x3b: {  	s18 =	sand.u32 $0x70, s17;
	s17 =	simm.s32 $0x20;
	s19 =	sand.u32 $0xE00, s16;
	v5 =	vld [tilespmem:s15+$0x1100]  }
.LBB2_2:
0x3c: {  	p0 =	sne.s32 s17, $0x3F0;
	s18 =	sor.u32 s18, s19;
	v2 =	vmul.f32 v2, v3  }
0x3d: {  	v3 =	vld [tilespmem:s18+$0x0]  }
0x3e: {  	v6 =	vld [tilespmem:s18+$0x80];
	v2 =	vadd.f32 $0.0e+00, v2;
	v1 =	vmul.f32 v4, v1  }
0x3f: {  	v4 =	vld [tilespmem:s18+$0x100]  }
0x40: {  	v1 =	vadd.f32 v1, v2;
	v0 =	vmul.f32 v5, v0;
	_ =	sdelay $0x1  }
0x41: {  	v0 =	vadd.f32 v0, v1;
	_ =	sdelay $0x1  }
0x42: {  	v1 =	vld [tilespmem:s18+$0x1000];
	[tilespmem:s15+$0x3900] =	vst v0;
	s15 =	smov.u32 s18  }
0x43: {  	v0 =	vld.idx.msk [tilespmem:v3+s10+$0x0], $0xffff  }
0x44: {  	v2 =	vld.idx.msk [tilespmem:v6+s10+$0x0], $0xffff  }
0x45: {  	v3 =	vld.idx.msk [tilespmem:v4+s10+$0x0], $0xffff  }
0x46: {  	v4 =	vld [tilespmem:s15+$0x1080]  }
0x47: {  	v5 =	vld [tilespmem:s15+$0x1100]  }
0x48: {  	v6 =	vld [tilespmem:s15+$0x0]  }
0x49: {  	v0 =	vmul.f32 v1, v0  }
0x4a: {  	v1 =	vld [tilespmem:s15+$0x80]  }
0x4b: {  	v0 =	vadd.f32 $0.0e+00, v0;
	v2 =	vmul.f32 v4, v2  }
0x4c: {  	v4 =	vld [tilespmem:s15+$0x100]  }
0x4d: {  	v0 =	vadd.f32 v2, v0;
	v2 =	vmul.f32 v5, v3;
	v3 =	vadd.s32 $0x800, v6;
	_ =	sdelay $0x1  }
0x4e: {  	v0 =	vadd.f32 v2, v0;
	v1 =	vadd.s32 $0x800, v1;
	_ =	sdelay $0x1  }
0x4f: {  	[tilespmem:s15+$0x3800] =	vst v0;
	v0 =	vadd.s32 $0x800, v4;
	v2 =	vld [tilespmem:s15+$0x1100]  }
0x50: {  	v3 =	vld.idx.msk [tilespmem:v3+s10+$0x0], $0xffff  }
0x51: {  	v4 =	vld [tilespmem:s15+$0x1000]  }
0x52: {  	v1 =	vld.idx.msk [tilespmem:v1+s10+$0x0], $0xffff  }
0x53: {  	v5 =	vld [tilespmem:s15+$0x1080]  }
0x54: {  	v0 =	vld.idx.msk [tilespmem:v0+s10+$0x0], $0xffff  }
0x55: {  	v6 =	vld [tilespmem:s15+$0x0]  }
0x56: {  	v3 =	vmul.f32 v4, v3;
	v4 =	vld [tilespmem:s15+$0x80]  }
0x57: {  	v7 =	vld [tilespmem:s15+$0x100]  }
0x58: {  	v3 =	vadd.f32 $0.0e+00, v3;
	v1 =	vmul.f32 v5, v1;
	_ =	sdelay $0x1  }
0x59: {  	v0 =	vmul.f32 v2, v0;
	v1 =	vadd.f32 v1, v3;
	v3 =	vadd.s32 $0x1000, v6  }
0x5a: {  	v4 =	vadd.s32 $0x1000, v4  }
0x5b: {  	v0 =	vadd.f32 v0, v1;
	v5 =	vadd.s32 $0x1000, v7;
	_ =	sdelay $0x1  }
0x5c: {  	[tilespmem:s15+$0x3880] =	vst v0;
	v2 =	vld [tilespmem:s15+$0x1000]  }
0x5d: {  	v3 =	vld.idx.msk [tilespmem:v3+s10+$0x0], $0xffff  }
.Ltmp0:
0x5e: {  	v1 =	vld.idx.msk [tilespmem:v4+s10+$0x0], $0xffff;
	(pc) =	sbr.rel @p0 .LBB2_2-.Ltmp0, $4  }
0x5f: {  	v0 =	vld.idx.msk [tilespmem:v5+s10+$0x0], $0xffff  }
0x60: {  	v4 =	vld [tilespmem:s15+$0x1080]  }
0x61: {  	s16 =	sadd.s32 $0x40, s16  }
0x62: {  	s19 =	sand.u32 $0xE00, s16;
	s18 =	sand.u32 $0x70, s17;
	s17 =	sadd.s32 $0x10, s17;
	v5 =	vld [tilespmem:s15+$0x1100]  }
0x63: {  	s16 =	sor.u32 s18, s19;
	v2 =	vmul.f32 v2, v3  }
0x64: {  	v39 =	vld [tilespmem:s16+$0x0]  }
0x65: {  	v6 =	vld [tilespmem:s16+$0x80];
	v2 =	vadd.f32 $0.0e+00, v2;
	v1 =	vmul.f32 v4, v1  }
0x66: {  	v40 =	vld [tilespmem:s16+$0x100]  }
0x67: {  	v1 =	vadd.f32 v1, v2;
	v0 =	vmul.f32 v5, v0;
	_ =	sdelay $0x1  }
0x68: {  	v0 =	vadd.f32 v0, v1;
	_ =	sdelay $0x1  }
0x69: {  	v41 =	vld [tilespmem:s16+$0x1000];
	[tilespmem:s15+$0x3900] =	vst v0  }
0x6a: {  	v0 =	vld.idx.msk [tilespmem:v39+s10+$0x0], $0xffff  }
0x6b: {  	v42 =	vld.idx.msk [tilespmem:v6+s10+$0x0], $0xffff  }
0x6c: {  	v43 =	vld.idx.msk [tilespmem:v40+s10+$0x0], $0xffff  }
0x6d: {  	v44 =	vld [tilespmem:s16+$0x1080]  }
0x6e: {  	v45 =	vld [tilespmem:s16+$0x1100]  }
0x6f: {  	v46 =	vld [tilespmem:s16+$0x0]  }
0x70: {  	v0 =	vmul.f32 v41, v0  }
0x71: {  	v47 =	vld [tilespmem:s16+$0x80]  }
0x72: {  	v2 =	vmul.f32 v44, v42;
	v0 =	vadd.f32 $0.0e+00, v0  }
0x73: {  	v48 =	vld [tilespmem:s16+$0x100]  }
0x74: {  	v49 =	vmul.f32 v45, v43;
	v50 =	vadd.s32 $0x800, v46;
	v0 =	vadd.f32 v2, v0;
	_ =	sdelay $0x1  }
0x75: {  	v1 =	vadd.s32 $0x800, v47;
	v0 =	vadd.f32 v49, v0  }
0x76: {  	v52 =	vld [tilespmem:s16+$0x1100]  }
0x77: {  	v53 =	vld [tilespmem:s16+$0x1000];
	v51 =	vadd.s32 $0x800, v48;
	[tilespmem:s16+$0x3800] =	vst v0  }
0x78: {  	v3 =	vld.idx.msk [tilespmem:v50+s10+$0x0], $0xffff  }
0x79: {  	v54 =	vld [tilespmem:s16+$0x1080]  }
0x7a: {  	v1 =	vld.idx.msk [tilespmem:v1+s10+$0x0], $0xffff  }
0x7b: {  	v55 =	vld [tilespmem:s16+$0x0]  }
0x7c: {  	v0 =	vld.idx.msk [tilespmem:v51+s10+$0x0], $0xffff  }
0x7d: {  	v3 =	vmul.f32 v53, v3  }
0x7e: {  	v56 =	vld [tilespmem:s16+$0x80]  }
0x7f: {  	v1 =	vmul.f32 v54, v1;
	v3 =	vadd.f32 $0.0e+00, v3  }
0x80: {  	v7 =	vld [tilespmem:s16+$0x100]  }
0x81: {  	v57 =	vadd.s32 $0x1000, v55;
	v0 =	vmul.f32 v52, v0;
	v1 =	vadd.f32 v1, v3;
	_ =	sdelay $0x1  }
0x82: {  	v58 =	vadd.s32 $0x1000, v56;
	v0 =	vadd.f32 v0, v1;
	_ =	sdelay $0x1  }
0x83: {  	v60 =	vld [tilespmem:s16+$0x1000];
	v59 =	vadd.s32 $0x1000, v7;
	[tilespmem:s16+$0x3880] =	vst v0  }
0x84: {  	v2 =	vld.idx.msk [tilespmem:v57+s10+$0x0], $0xffff  }
0x85: {  	v61 =	vld [tilespmem:s16+$0x1080]  }
0x86: {  	v3 =	vld.idx.msk [tilespmem:v58+s10+$0x0], $0xffff  }
0x87: {  	v62 =	vld [tilespmem:s16+$0x1100]  }
0x88: {  	v1 =	vld.idx.msk [tilespmem:v59+s10+$0x0], $0xffff  }
0x89: {  	v0 =	vmul.f32 v60, v2;
	_ =	sdelay $0x1  }
0x8a: {  	v63 =	vmul.f32 v61, v3;
	v0 =	vadd.f32 $0.0e+00, v0;
	_ =	sdelay $0x1  }
0x8b: {  	v1 =	vmul.f32 v62, v1;
	v0 =	vadd.f32 v63, v0;
	_ =	sdelay $0x1  }
0x8c: {  	s14 =	sadd.s32 $0x1, s14;
	v0 =	vadd.f32 v1, v0  }
0x8d: {  	p0 =	sne.s32 s14, s7  }
.Ltmp1:
0x8e: {  	[tilespmem:s16+$0x3900] =	vst v0;
	(pc) =	sbr.rel @p0 .LBB2_1-.Ltmp1, $4  }
0x8f: {  	[hbm4b:s6+s2] =	stream.linear.scatter [tilespmem:s13], [sflag:$0x1], $0x1000, $0x38;
	[tilespmem:$0x4800] =	vst v63  }
0x90: {  	_ =	swait.ge [sflag:s11], $0x1000  }
0x91: {  	[sflag:s11] =	ssyncset.done $0x0  }
0x92: {  	[sflag:s11] =	ssyncadd.s32 $0xFFFFF000  }
0x93: {  	_ =	sfence.sel $0x180000  }
0x94: {  	[bflag:$0x0] =	sbarrier.arrive $0xFFFF  }
0x95: {  	p0 =	sne.s32 s1, $0x0;
	_ =	strace $0x90000047  }
0x96: {  	s0 =	sadd.s32 @!p0 $0x100000, s0;
	[bflag:$0x2] =	sbarrier.arrive $0xFFFF  }
0x97: {  	[sflag:s0] =	ssyncadd.tile.s32 @!p0 $0x1;
	_ =	shalt  }
.Lfunc_end2:
_tile_overlayer_lowered:
.L_overlay_start_2:
0x98: {  	(tag) =	ssettag $0x2  }
0x99: {  	s0 =	rddreg [dreg:$0x0];
	s2 =	stileid.u32  }
0x9a: {  	s1 =	rddreg [dreg:$0x1];
	p0 =	sne.s32 s2, $0x0  }
0x9b: {  	s3 =	rddreg [dreg:$0x2];
	[bflag:$0x3] =	sbarrier.arrive $0xFFFF;
	s2 =	simm.s32 @!p0 $0x1C01  }
0x9c: {  	[timem:s3], [sflag:s2] =	dma.local @!p0 [hbm:s0], s1  }
0x9d: {  	s0 =	simm.s32 @!p0 $0x1  }
0x9e: {  	_ =	swait.ge @!p0 [sflag:s0], s1  }
0x9f: {  	s1 =	ssub.s32 @!p0 $0x0, s1;
	[sflag:s0] =	ssyncset.done @!p0 $0x0  }
0xa0: {  	[sflag:s0] =	ssyncadd.s32 @!p0 s1  }
0xa1: {  	[bflag:$0x3] =	sbarrier.arrive $0xFFFF  }
0xa2: {  	_ =	shalt  }

</sc_bundles>
